<compile_context>
chip_gen: v7x
topology: tpu7x:2x2x1
jax: 0.10.2.dev20260603
libtpu: 0.0.44.dev20260713+nightly
codegen_flags: <defaults>
</compile_context>

<pallas_src>
import jax
import jax.numpy as jnp
from jax import lax
from jax.experimental import pallas as pl
from jax.experimental.pallas import tpu as pltpu
from jax.experimental.pallas import tpu_sc as plsc

N = 10000
E = 320000
D_IN = 128
D_OUT = 64

NN = 2 * N
NP = 20480
DUMMY = NN

NC = 2
NS = 16
NW = NC * NS
B = 128
BOP = 128
CH = 158
PW = CH * BOP
EP = NW * PW

ROWS_PER_TILE = NP // NS


def _zero_bf16_rows(ref, nrows, ncols):
    z = jnp.zeros((32,), jnp.bfloat16)

    def body(i, carry):
        for j in range(ncols // 32):
            ref[i, pl.ds(j * 32, 32)] = z
        return carry

    lax.fori_loop(0, nrows, body, 0)


def _make_sc_scatter(with_deg: bool):
    mesh = plsc.VectorSubcoreMesh(core_axis_name="c", subcore_axis_name="s")
    out_type = [jax.ShapeDtypeStruct((NC, NP, D_OUT), jnp.bfloat16)]
    if with_deg:
        out_type.append(jax.ShapeDtypeStruct((NC, NP), jnp.float32))
    scratch = [
        pltpu.VMEM((CH, BOP), jnp.int32),
        pltpu.VMEM((CH, BOP), jnp.int32),
        [pltpu.VMEM((BOP, D_OUT), jnp.bfloat16) for _ in range(2)],
        pltpu.VMEM_SHARED((NP, D_OUT), jnp.bfloat16),
        [pltpu.SemaphoreType.DMA for _ in range(2)],
    ]
    if with_deg:
        scratch.append(pltpu.VMEM((BOP,), jnp.float32))
        scratch.append(pltpu.VMEM_SHARED((NP,), jnp.float32))

    def body(xn_hbm, row_hbm, col_hbm, s_out, *rest):
        if with_deg:
            (deg_out, row_v, col_v, bufs, s_sh, gsems,
             ones_v, deg_sh) = rest
        else:
            (row_v, col_v, bufs, s_sh, gsems) = rest
        buf0 = bufs[0]
        cid = lax.axis_index("c")
        sid = lax.axis_index("s")
        wid = sid * NC + cid

        pltpu.sync_copy(row_hbm.at[wid], row_v)
        pltpu.sync_copy(col_hbm.at[wid], col_v)

        _zero_bf16_rows(buf0, BOP, D_OUT)
        for i in range(ROWS_PER_TILE // BOP):
            pltpu.sync_copy(
                buf0, s_sh.at[pl.ds(sid * ROWS_PER_TILE + i * BOP, BOP)])
        if with_deg:
            zf = jnp.zeros((16,), jnp.float32)
            for k in range(BOP // 16):
                ones_v[pl.ds(k * 16, 16)] = zf
            for i in range(ROWS_PER_TILE // BOP):
                pltpu.sync_copy(
                    ones_v,
                    deg_sh.at[pl.ds(sid * ROWS_PER_TILE + i * BOP, BOP)])
            one = jnp.ones((16,), jnp.float32)
            for k in range(BOP // 16):
                ones_v[pl.ds(k * 16, 16)] = one
        plsc.subcore_barrier()

        pltpu.async_copy(xn_hbm.at[row_v.at[0]], bufs[0], gsems[0])

        def chunk(g, carry):
            for b in range(2):
                j = g * 2 + b
                cur, gsem = bufs[b], gsems[b]
                nxt, ngsem = bufs[1 - b], gsems[1 - b]
                pltpu.make_async_copy(xn_hbm.at[row_v.at[j]], cur, gsem).wait()

                @pl.when(j + 1 < CH)
                def _():
                    pltpu.async_copy(xn_hbm.at[row_v.at[j + 1]], nxt, ngsem)

                pltpu.sync_copy(cur, s_sh.at[col_v.at[j]], add=True)
                if with_deg:
                    pltpu.sync_copy(ones_v, deg_sh.at[col_v.at[j]], add=True)
            return carry

        lax.fori_loop(0, CH // 2, chunk, 0)
        plsc.subcore_barrier()

        r0 = sid * ROWS_PER_TILE
        pltpu.sync_copy(s_sh.at[pl.ds(r0, ROWS_PER_TILE)],
                        s_out.at[cid, pl.ds(r0, ROWS_PER_TILE)])
        if with_deg:
            pltpu.sync_copy(deg_sh.at[pl.ds(r0, ROWS_PER_TILE)],
                            deg_out.at[cid, pl.ds(r0, ROWS_PER_TILE)])

    return pl.kernel(body, out_type=out_type, mesh=mesh,
                     scratch_types=scratch,
                     compiler_params=pltpu.CompilerParams(
                         use_tc_tiling_on_sc=False))


BM = 1024


def _mm_body(x_ref, w_ref, o_ref):
    o_ref[...] = lax.dot_general(
        x_ref[...], w_ref[...], (((1,), (1,)), ((), ())),
        preferred_element_type=jnp.float32).astype(jnp.bfloat16)


def _tc_xn(x, w):
    d = x.shape[1]
    return pl.pallas_call(
        _mm_body,
        grid=(NP // BM,),
        in_specs=[
            pl.BlockSpec((BM, d), lambda i: (i, 0)),
            pl.BlockSpec((D_OUT, d), lambda i: (0, 0)),
        ],
        out_specs=pl.BlockSpec((BM, D_OUT), lambda i: (i, 0)),
        out_shape=jax.ShapeDtypeStruct((NP, D_OUT), jnp.bfloat16),
    )(x, w)


def _make_tc_combine(emit_next_xn: bool):
    def body(x_ref, ws_ref, s_ref, deg_ref, *rest):
        if emit_next_xn:
            we_ref, h_ref, xn_ref = rest
        else:
            (h_ref,) = rest
        xs = lax.dot_general(
            x_ref[...], ws_ref[...], (((1,), (1,)), ((), ())),
            preferred_element_type=jnp.float32)
        s = s_ref[0].astype(jnp.float32) + s_ref[1].astype(jnp.float32)
        deg = deg_ref[0] + deg_ref[1]
        inv = jnp.where(deg > 0, 1.0 / deg, 0.0)
        aggr = s * inv[:, None]
        h = jax.nn.sigmoid(jnp.concatenate([xs, aggr], axis=1))
        h_ref[...] = h
        if emit_next_xn:
            xn_ref[...] = lax.dot_general(
                h, we_ref[...], (((1,), (1,)), ((), ())),
                preferred_element_type=jnp.float32).astype(jnp.bfloat16)

    def run(x, w_self, s, deg, w_edge_next=None):
        d = x.shape[1]
        in_specs = [
            pl.BlockSpec((BM, d), lambda i: (i, 0)),
            pl.BlockSpec((D_OUT, d), lambda i: (0, 0)),
            pl.BlockSpec((NC, BM, D_OUT), lambda i: (0, i, 0)),
            pl.BlockSpec((NC, BM), lambda i: (0, i)),
        ]
        args = [x, w_self, s, deg]
        out_specs = [pl.BlockSpec((BM, 2 * D_OUT), lambda i: (i, 0))]
        out_shape = [jax.ShapeDtypeStruct((NP, 2 * D_OUT), jnp.float32)]
        if emit_next_xn:
            in_specs.append(pl.BlockSpec((D_OUT, 2 * D_OUT), lambda i: (0, 0)))
            args.append(w_edge_next)
            out_specs.append(pl.BlockSpec((BM, D_OUT), lambda i: (i, 0)))
            out_shape.append(jax.ShapeDtypeStruct((NP, D_OUT), jnp.bfloat16))
        return pl.pallas_call(
            body,
            grid=(NP // BM,),
            in_specs=in_specs,
            out_specs=out_specs,
            out_shape=out_shape,
        )(*args)

    return run


_sc_scatter_deg = _make_sc_scatter(with_deg=True)
_sc_scatter = _make_sc_scatter(with_deg=False)
_tc_combine_xn = _make_tc_combine(emit_next_xn=True)
_tc_combine = _make_tc_combine(emit_next_xn=False)


def kernel(x1, edge_index1, x2, edge_index2,
           W_edge0, W_self0, W_edge1, W_self1):
    row = jnp.concatenate([edge_index1[0], edge_index2[0] + N])
    col = jnp.concatenate([edge_index1[1], edge_index2[1] + N])
    pad = EP - 2 * E
    row = jnp.concatenate([row, jnp.zeros((pad,), jnp.int32)])
    col = jnp.concatenate([col, jnp.full((pad,), DUMMY, jnp.int32)])
    row = row.reshape(NW, CH, BOP)
    col = col.reshape(NW, CH, BOP)
    x = jnp.zeros((NP, D_IN), jnp.float32).at[:N].set(x1).at[N:NN].set(x2)

    xn0 = _tc_xn(x, W_edge0)
    s0, deg = _sc_scatter_deg(xn0, row, col)
    h, xn1 = _tc_combine_xn(x, W_self0, s0, deg, W_edge1)

    (s1,) = _sc_scatter(xn1, row, col)
    (out,) = _tc_combine(h, W_self1, s1, deg)

    return out[:N], out[N:NN]

# --- scband reference (transcript-rebuilt; emitter-appended) ---
"""Pipeline reference for scband-cgnn-net-34754875359751 (READ-ONLY COPY).

The authoritative reference and input builder live on the scoring server;
editing this copy changes nothing except your own understanding.
"""

import jax, jax.numpy as jnp
import numpy as np

N = 10000
E = 320000
D_IN = 128
D_OUT = 64  # cat(self, aggr) -> 2*D_OUT = 128 feeds layer 1


def setup_inputs(seed: int = 0) -> dict:
    key = jax.random.key(seed)
    ks = jax.random.split(key, 8)
    x1 = jax.random.normal(ks[0], (N, D_IN), dtype=jnp.float32)
    x2 = jax.random.normal(ks[1], (N, D_IN), dtype=jnp.float32)
    edge_index1 = jax.random.randint(ks[2], (2, E), 0, N, dtype=jnp.int32)
    edge_index2 = jax.random.randint(ks[3], (2, E), 0, N, dtype=jnp.int32)
    s0 = 1.0 / np.sqrt(D_IN)
    s1 = 1.0 / np.sqrt(2 * D_OUT)
    W_edge0 = jax.random.normal(ks[4], (D_OUT, D_IN), dtype=jnp.float32) * s0
    W_self0 = jax.random.normal(ks[5], (D_OUT, D_IN), dtype=jnp.float32) * s0
    W_edge1 = jax.random.normal(ks[6], (D_OUT, 2 * D_OUT), dtype=jnp.float32) * s1
    W_self1 = jax.random.normal(ks[7], (D_OUT, 2 * D_OUT), dtype=jnp.float32) * s1
    return {
        "x1": x1, "edge_index1": edge_index1,
        "x2": x2, "edge_index2": edge_index2,
        "W_edge0": W_edge0, "W_self0": W_self0,
        "W_edge1": W_edge1, "W_self1": W_self1,
    }


def _cgnn_conv(x, edge_index, W_edge, W_self):
    # xn: neighbor transform (edges_lin); xs: self transform (lin_self)
    xn = x @ W_edge.T
    xs = x @ W_self.T
    row, col = edge_index[0], edge_index[1]
    n = x.shape[0]
    # norm = degree(col, N).pow(-1)[col]
    deg = jax.ops.segment_sum(jnp.ones(row.shape[0], dtype=x.dtype), col, num_segments=n)
    inv_deg = jnp.where(deg > 0, 1.0 / deg, 0.0)
    norm = inv_deg[col]
    # message: norm * xn_j ; aggr='add' scatter into dst (col)
    msgs = norm[:, None] * jnp.take(xn, row, axis=0)
    aggr = jax.ops.segment_sum(msgs, col, num_segments=n)
    out = jax.nn.sigmoid(jnp.concatenate([xs, aggr], axis=1))
    return out


def reference(x1, edge_index1, x2, edge_index2, W_edge0, W_self0, W_edge1, W_self1):
    h1 = _cgnn_conv(x1, edge_index1, W_edge0, W_self0)
    h1 = _cgnn_conv(h1, edge_index1, W_edge1, W_self1)
    h2 = _cgnn_conv(x2, edge_index2, W_edge0, W_self0)
    h2 = _cgnn_conv(h2, edge_index2, W_edge1, W_self1)
    return (h1, h2)

if __name__ == "__main__":
    import jax
    _d = setup_inputs()
    print(jax.jit(kernel)(*tuple(_d.values())))

</pallas_src>

<mosaic_0001>
#map = affine_map<(d0, d1) -> (0, 0)>
#map1 = affine_map<(d0, d1) -> (0, 0, 0)>
module attributes {stable_mosaic.version = 14 : i64} {
  func.func @body(%arg0: i32, %arg1: i32, %arg2: memref<20480x64xbf16, #tpu.memory_space<hbm>>, %arg3: memref<32x158x128xi32, #tpu.memory_space<hbm>>, %arg4: memref<32x158x128xi32, #tpu.memory_space<hbm>>, %arg5: memref<2x20480x64xbf16, #tpu.memory_space<hbm>>, %arg6: memref<2x20480xf32, #tpu.memory_space<hbm>>, %arg7: memref<158x128xi32, #tpu.memory_space<vmem>>, %arg8: memref<158x128xi32, #tpu.memory_space<vmem>>, %arg9: memref<128x64xbf16, #tpu.memory_space<vmem>>, %arg10: memref<128x64xbf16, #tpu.memory_space<vmem>>, %arg11: memref<20480x64xbf16, #tpu.memory_space<vmem_shared>>, %arg12: memref<!tpu.dma_semaphore, #tpu.memory_space<semaphore_mem>>, %arg13: memref<!tpu.dma_semaphore, #tpu.memory_space<semaphore_mem>>, %arg14: memref<128xf32, #tpu.memory_space<vmem>>, %arg15: memref<20480xf32, #tpu.memory_space<vmem_shared>>) attributes {dimension_semantics = [#tpu.dimension_semantics<core_parallel>, #tpu.dimension_semantics<subcore_parallel>], iteration_bounds = array<i64: 2, 16>, scalar_prefetch = 0 : i64, scratch_operands = 9 : i64, tpu.core_type = #tpu.core_type<sc_vector_subcore>, window_params = [{transform_indices = #map}, {transform_indices = #map1}, {transform_indices = #map1}, {transform_indices = #map1}, {transform_indices = #map}]} {
    %mul3A = arith.constant 2 : i32
    %mul3A_0 = arith.muli %arg1, %mul3A : i32
    %add3A = arith.addi %mul3A_0, %arg0 : i32
    "tpu.region"() ({
      %run_scoped3A = tpu.sem_alloc : memref<!tpu.dma_semaphore, #tpu.memory_space<semaphore_mem>>
      %dma_start3A_169 = arith.constant 0 : i32
      %dma_start3A_170 = arith.constant 0 : i32
      %dma_start3A_171 = tpu.memref_slice %arg3[%add3A, %dma_start3A_169, %dma_start3A_170] : memref<32x158x128xi32, #tpu.memory_space<hbm>> -> memref<1x158x128xi32, #tpu.memory_space<hbm>>
      %dma_start3A_172 = tpu.memref_squeeze %dma_start3A_171 : memref<1x158x128xi32, #tpu.memory_space<hbm>> -> memref<158x128xi32, #tpu.memory_space<hbm>>
      %dma_start3A_173 = arith.constant 0 : i32
      %dma_start3A_174 = arith.constant 0 : i32
      %dma_start3A_175 = tpu.memref_slice %arg3[%add3A, %dma_start3A_173, %dma_start3A_174] : memref<32x158x128xi32, #tpu.memory_space<hbm>> -> memref<1x158x128xi32, #tpu.memory_space<hbm>>
      %dma_start3A_176 = tpu.memref_squeeze %dma_start3A_175 : memref<1x158x128xi32, #tpu.memory_space<hbm>> -> memref<158x128xi32, #tpu.memory_space<hbm>>
      tpu.enqueue_dma source(%dma_start3A_176 : memref<158x128xi32, #tpu.memory_space<hbm>>) target(%arg7 : memref<158x128xi32, #tpu.memory_space<vmem>>) target_semaphore(%run_scoped3A : memref<!tpu.dma_semaphore, #tpu.memory_space<semaphore_mem>>)
      %dma_wait3A = arith.constant 0 : i32
      %dma_wait3A_177 = arith.constant 0 : i32
      %dma_wait3A_178 = tpu.memref_slice %arg3[%add3A, %dma_wait3A, %dma_wait3A_177] : memref<32x158x128xi32, #tpu.memory_space<hbm>> -> memref<1x158x128xi32, #tpu.memory_space<hbm>>
      %dma_wait3A_179 = tpu.memref_squeeze %dma_wait3A_178 : memref<1x158x128xi32, #tpu.memory_space<hbm>> -> memref<158x128xi32, #tpu.memory_space<hbm>>
      %dma_wait3A_180 = arith.constant 0 : i32
      %dma_wait3A_181 = arith.constant 0 : i32
      %dma_wait3A_182 = tpu.memref_slice %arg3[%add3A, %dma_wait3A_180, %dma_wait3A_181] : memref<32x158x128xi32, #tpu.memory_space<hbm>> -> memref<1x158x128xi32, #tpu.memory_space<hbm>>
      %dma_wait3A_183 = tpu.memref_squeeze %dma_wait3A_182 : memref<1x158x128xi32, #tpu.memory_space<hbm>> -> memref<158x128xi32, #tpu.memory_space<hbm>>
      tpu.wait_dma2 semaphore(%run_scoped3A : memref<!tpu.dma_semaphore, #tpu.memory_space<semaphore_mem>>) src(%dma_wait3A_183 : memref<158x128xi32, #tpu.memory_space<hbm>>) dst(%arg7 : memref<158x128xi32, #tpu.memory_space<vmem>>)
      tpu.yield
    }) : () -> ()
    "tpu.region"() ({
      %run_scoped3A = tpu.sem_alloc : memref<!tpu.dma_semaphore, #tpu.memory_space<semaphore_mem>>
      %dma_start3A_169 = arith.constant 0 : i32
      %dma_start3A_170 = arith.constant 0 : i32
      %dma_start3A_171 = tpu.memref_slice %arg4[%add3A, %dma_start3A_169, %dma_start3A_170] : memref<32x158x128xi32, #tpu.memory_space<hbm>> -> memref<1x158x128xi32, #tpu.memory_space<hbm>>
      %dma_start3A_172 = tpu.memref_squeeze %dma_start3A_171 : memref<1x158x128xi32, #tpu.memory_space<hbm>> -> memref<158x128xi32, #tpu.memory_space<hbm>>
      %dma_start3A_173 = arith.constant 0 : i32
      %dma_start3A_174 = arith.constant 0 : i32
      %dma_start3A_175 = tpu.memref_slice %arg4[%add3A, %dma_start3A_173, %dma_start3A_174] : memref<32x158x128xi32, #tpu.memory_space<hbm>> -> memref<1x158x128xi32, #tpu.memory_space<hbm>>
      %dma_start3A_176 = tpu.memref_squeeze %dma_start3A_175 : memref<1x158x128xi32, #tpu.memory_space<hbm>> -> memref<158x128xi32, #tpu.memory_space<hbm>>
      tpu.enqueue_dma source(%dma_start3A_176 : memref<158x128xi32, #tpu.memory_space<hbm>>) target(%arg8 : memref<158x128xi32, #tpu.memory_space<vmem>>) target_semaphore(%run_scoped3A : memref<!tpu.dma_semaphore, #tpu.memory_space<semaphore_mem>>)
      %dma_wait3A = arith.constant 0 : i32
      %dma_wait3A_177 = arith.constant 0 : i32
      %dma_wait3A_178 = tpu.memref_slice %arg4[%add3A, %dma_wait3A, %dma_wait3A_177] : memref<32x158x128xi32, #tpu.memory_space<hbm>> -> memref<1x158x128xi32, #tpu.memory_space<hbm>>
      %dma_wait3A_179 = tpu.memref_squeeze %dma_wait3A_178 : memref<1x158x128xi32, #tpu.memory_space<hbm>> -> memref<158x128xi32, #tpu.memory_space<hbm>>
      %dma_wait3A_180 = arith.constant 0 : i32
      %dma_wait3A_181 = arith.constant 0 : i32
      %dma_wait3A_182 = tpu.memref_slice %arg4[%add3A, %dma_wait3A_180, %dma_wait3A_181] : memref<32x158x128xi32, #tpu.memory_space<hbm>> -> memref<1x158x128xi32, #tpu.memory_space<hbm>>
      %dma_wait3A_183 = tpu.memref_squeeze %dma_wait3A_182 : memref<1x158x128xi32, #tpu.memory_space<hbm>> -> memref<158x128xi32, #tpu.memory_space<hbm>>
      tpu.wait_dma2 semaphore(%run_scoped3A : memref<!tpu.dma_semaphore, #tpu.memory_space<semaphore_mem>>) src(%dma_wait3A_183 : memref<158x128xi32, #tpu.memory_space<hbm>>) dst(%arg8 : memref<158x128xi32, #tpu.memory_space<vmem>>)
      tpu.yield
    }) : () -> ()
    %broadcast_in_dim3A = arith.constant 0.000000e+00 : bf16
    %broadcast_in_dim3A_1 = vector.broadcast %broadcast_in_dim3A : bf16 to vector<32xbf16>
    %scan3A = arith.constant 0 : i32
    %scan3A_2 = arith.constant 0 : i32
    %scan3A_3 = arith.constant 128 : i32
    %scan3A_4 = arith.addi %scan3A_2, %scan3A_3 : i32
    %scan3A_5 = arith.constant 1 : i32
    scf.for %scan3A_169 = %scan3A_2 to %scan3A_4 step %scan3A_5  : i32 {
      %swap3A_170 = arith.index_cast %scan3A_169 : i32 to index
      %swap3A_171 = arith.constant 0 : index
      %swap3A_172 = tpu.vector_load %arg9[%swap3A_170, %swap3A_171] {strides = array<i32>} : memref<128x64xbf16, #tpu.memory_space<vmem>>, vector<1x32xbf16>,
      %swap3A_173 = vector.shape_cast %swap3A_172 : vector<1x32xbf16> to vector<32xbf16>
      %swap3A_174 = vector.shape_cast %broadcast_in_dim3A_1 : vector<32xbf16> to vector<1x32xbf16>
      tpu.vector_store %arg9[%swap3A_170, %swap3A_171], %swap3A_174 {strides = array<i32>} : memref<128x64xbf16, #tpu.memory_space<vmem>>, vector<1x32xbf16>,
      %swap3A_175 = arith.index_cast %scan3A_169 : i32 to index
      %swap3A_176 = arith.constant 32 : index
      %swap3A_177 = tpu.vector_load %arg9[%swap3A_175, %swap3A_176] {strides = array<i32>} : memref<128x64xbf16, #tpu.memory_space<vmem>>, vector<1x32xbf16>,
      %swap3A_178 = vector.shape_cast %swap3A_177 : vector<1x32xbf16> to vector<32xbf16>
      %swap3A_179 = vector.shape_cast %broadcast_in_dim3A_1 : vector<32xbf16> to vector<1x32xbf16>
      tpu.vector_store %arg9[%swap3A_175, %swap3A_176], %swap3A_179 {strides = array<i32>} : memref<128x64xbf16, #tpu.memory_space<vmem>>, vector<1x32xbf16>,
    }
    %scan3A_6 = arith.constant 128 : i32
    %mul3A_7 = arith.constant 1280 : i32
    %mul3A_8 = arith.muli %arg1, %mul3A_7 : i32
    %add3A_9 = arith.constant 0 : i32
    %add3A_10 = arith.addi %mul3A_8, %add3A_9 : i32
    "tpu.region"() ({
      %run_scoped3A = tpu.sem_alloc : memref<!tpu.dma_semaphore, #tpu.memory_space<semaphore_mem>>
      %dma_start3A_169 = arith.constant 0 : i32
      %dma_start3A_170 = tpu.memref_slice %arg11[%add3A_10, %dma_start3A_169] : memref<20480x64xbf16, #tpu.memory_space<vmem_shared>> -> memref<128x64xbf16, #tpu.memory_space<vmem_shared>>
      %dma_start3A_171 = arith.constant 0 : i32
      %dma_start3A_172 = tpu.memref_slice %arg11[%add3A_10, %dma_start3A_171] : memref<20480x64xbf16, #tpu.memory_space<vmem_shared>> -> memref<128x64xbf16, #tpu.memory_space<vmem_shared>>
      tpu.enqueue_dma source(%arg9 : memref<128x64xbf16, #tpu.memory_space<vmem>>) target(%dma_start3A_172 : memref<128x64xbf16, #tpu.memory_space<vmem_shared>>) target_semaphore(%run_scoped3A : memref<!tpu.dma_semaphore, #tpu.memory_space<semaphore_mem>>)
      %dma_wait3A = arith.constant 0 : i32
      %dma_wait3A_173 = tpu.memref_slice %arg11[%add3A_10, %dma_wait3A] : memref<20480x64xbf16, #tpu.memory_space<vmem_shared>> -> memref<128x64xbf16, #tpu.memory_space<vmem_shared>>
      %dma_wait3A_174 = arith.constant 0 : i32
      %dma_wait3A_175 = tpu.memref_slice %arg11[%add3A_10, %dma_wait3A_174] : memref<20480x64xbf16, #tpu.memory_space<vmem_shared>> -> memref<128x64xbf16, #tpu.memory_space<vmem_shared>>
      tpu.wait_dma2 semaphore(%run_scoped3A : memref<!tpu.dma_semaphore, #tpu.memory_space<semaphore_mem>>) src(%arg9 : memref<128x64xbf16, #tpu.memory_space<vmem>>) dst(%dma_wait3A_175 : memref<128x64xbf16, #tpu.memory_space<vmem_shared>>)
      tpu.yield
    }) : () -> ()
    %mul3A_11 = arith.constant 1280 : i32
    %mul3A_12 = arith.muli %arg1, %mul3A_11 : i32
    %add3A_13 = arith.constant 128 : i32
    %add3A_14 = arith.addi %mul3A_12, %add3A_13 : i32
    "tpu.region"() ({
      %run_scoped3A = tpu.sem_alloc : memref<!tpu.dma_semaphore, #tpu.memory_space<semaphore_mem>>
      %dma_start3A_169 = arith.constant 0 : i32
      %dma_start3A_170 = tpu.memref_slice %arg11[%add3A_14, %dma_start3A_169] : memref<20480x64xbf16, #tpu.memory_space<vmem_shared>> -> memref<128x64xbf16, #tpu.memory_space<vmem_shared>>
      %dma_start3A_171 = arith.constant 0 : i32
      %dma_start3A_172 = tpu.memref_slice %arg11[%add3A_14, %dma_start3A_171] : memref<20480x64xbf16, #tpu.memory_space<vmem_shared>> -> memref<128x64xbf16, #tpu.memory_space<vmem_shared>>
      tpu.enqueue_dma source(%arg9 : memref<128x64xbf16, #tpu.memory_space<vmem>>) target(%dma_start3A_172 : memref<128x64xbf16, #tpu.memory_space<vmem_shared>>) target_semaphore(%run_scoped3A : memref<!tpu.dma_semaphore, #tpu.memory_space<semaphore_mem>>)
      %dma_wait3A = arith.constant 0 : i32
      %dma_wait3A_173 = tpu.memref_slice %arg11[%add3A_14, %dma_wait3A] : memref<20480x64xbf16, #tpu.memory_space<vmem_shared>> -> memref<128x64xbf16, #tpu.memory_space<vmem_shared>>
      %dma_wait3A_174 = arith.constant 0 : i32
      %dma_wait3A_175 = tpu.memref_slice %arg11[%add3A_14, %dma_wait3A_174] : memref<20480x64xbf16, #tpu.memory_space<vmem_shared>> -> memref<128x64xbf16, #tpu.memory_space<vmem_shared>>
      tpu.wait_dma2 semaphore(%run_scoped3A : memref<!tpu.dma_semaphore, #tpu.memory_space<semaphore_mem>>) src(%arg9 : memref<128x64xbf16, #tpu.memory_space<vmem>>) dst(%dma_wait3A_175 : memref<128x64xbf16, #tpu.memory_space<vmem_shared>>)
      tpu.yield
    }) : () -> ()
    %mul3A_15 = arith.constant 1280 : i32
    %mul3A_16 = arith.muli %arg1, %mul3A_15 : i32
    %add3A_17 = arith.constant 256 : i32
    %add3A_18 = arith.addi %mul3A_16, %add3A_17 : i32
    "tpu.region"() ({
      %run_scoped3A = tpu.sem_alloc : memref<!tpu.dma_semaphore, #tpu.memory_space<semaphore_mem>>
      %dma_start3A_169 = arith.constant 0 : i32
      %dma_start3A_170 = tpu.memref_slice %arg11[%add3A_18, %dma_start3A_169] : memref<20480x64xbf16, #tpu.memory_space<vmem_shared>> -> memref<128x64xbf16, #tpu.memory_space<vmem_shared>>
      %dma_start3A_171 = arith.constant 0 : i32
      %dma_start3A_172 = tpu.memref_slice %arg11[%add3A_18, %dma_start3A_171] : memref<20480x64xbf16, #tpu.memory_space<vmem_shared>> -> memref<128x64xbf16, #tpu.memory_space<vmem_shared>>
      tpu.enqueue_dma source(%arg9 : memref<128x64xbf16, #tpu.memory_space<vmem>>) target(%dma_start3A_172 : memref<128x64xbf16, #tpu.memory_space<vmem_shared>>) target_semaphore(%run_scoped3A : memref<!tpu.dma_semaphore, #tpu.memory_space<semaphore_mem>>)
      %dma_wait3A = arith.constant 0 : i32
      %dma_wait3A_173 = tpu.memref_slice %arg11[%add3A_18, %dma_wait3A] : memref<20480x64xbf16, #tpu.memory_space<vmem_shared>> -> memref<128x64xbf16, #tpu.memory_space<vmem_shared>>
      %dma_wait3A_174 = arith.constant 0 : i32
      %dma_wait3A_175 = tpu.memref_slice %arg11[%add3A_18, %dma_wait3A_174] : memref<20480x64xbf16, #tpu.memory_space<vmem_shared>> -> memref<128x64xbf16, #tpu.memory_space<vmem_shared>>
      tpu.wait_dma2 semaphore(%run_scoped3A : memref<!tpu.dma_semaphore, #tpu.memory_space<semaphore_mem>>) src(%arg9 : memref<128x64xbf16, #tpu.memory_space<vmem>>) dst(%dma_wait3A_175 : memref<128x64xbf16, #tpu.memory_space<vmem_shared>>)
      tpu.yield
    }) : () -> ()
    %mul3A_19 = arith.constant 1280 : i32
    %mul3A_20 = arith.muli %arg1, %mul3A_19 : i32
    %add3A_21 = arith.constant 384 : i32
    %add3A_22 = arith.addi %mul3A_20, %add3A_21 : i32
    "tpu.region"() ({
      %run_scoped3A = tpu.sem_alloc : memref<!tpu.dma_semaphore, #tpu.memory_space<semaphore_mem>>
      %dma_start3A_169 = arith.constant 0 : i32
      %dma_start3A_170 = tpu.memref_slice %arg11[%add3A_22, %dma_start3A_169] : memref<20480x64xbf16, #tpu.memory_space<vmem_shared>> -> memref<128x64xbf16, #tpu.memory_space<vmem_shared>>
      %dma_start3A_171 = arith.constant 0 : i32
      %dma_start3A_172 = tpu.memref_slice %arg11[%add3A_22, %dma_start3A_171] : memref<20480x64xbf16, #tpu.memory_space<vmem_shared>> -> memref<128x64xbf16, #tpu.memory_space<vmem_shared>>
      tpu.enqueue_dma source(%arg9 : memref<128x64xbf16, #tpu.memory_space<vmem>>) target(%dma_start3A_172 : memref<128x64xbf16, #tpu.memory_space<vmem_shared>>) target_semaphore(%run_scoped3A : memref<!tpu.dma_semaphore, #tpu.memory_space<semaphore_mem>>)
      %dma_wait3A = arith.constant 0 : i32
      %dma_wait3A_173 = tpu.memref_slice %arg11[%add3A_22, %dma_wait3A] : memref<20480x64xbf16, #tpu.memory_space<vmem_shared>> -> memref<128x64xbf16, #tpu.memory_space<vmem_shared>>
      %dma_wait3A_174 = arith.constant 0 : i32
      %dma_wait3A_175 = tpu.memref_slice %arg11[%add3A_22, %dma_wait3A_174] : memref<20480x64xbf16, #tpu.memory_space<vmem_shared>> -> memref<128x64xbf16, #tpu.memory_space<vmem_shared>>
      tpu.wait_dma2 semaphore(%run_scoped3A : memref<!tpu.dma_semaphore, #tpu.memory_space<semaphore_mem>>) src(%arg9 : memref<128x64xbf16, #tpu.memory_space<vmem>>) dst(%dma_wait3A_175 : memref<128x64xbf16, #tpu.memory_space<vmem_shared>>)
      tpu.yield
    }) : () -> ()
    %mul3A_23 = arith.constant 1280 : i32
    %mul3A_24 = arith.muli %arg1, %mul3A_23 : i32
    %add3A_25 = arith.constant 512 : i32
    %add3A_26 = arith.addi %mul3A_24, %add3A_25 : i32
    "tpu.region"() ({
      %run_scoped3A = tpu.sem_alloc : memref<!tpu.dma_semaphore, #tpu.memory_space<semaphore_mem>>
      %dma_start3A_169 = arith.constant 0 : i32
      %dma_start3A_170 = tpu.memref_slice %arg11[%add3A_26, %dma_start3A_169] : memref<20480x64xbf16, #tpu.memory_space<vmem_shared>> -> memref<128x64xbf16, #tpu.memory_space<vmem_shared>>
      %dma_start3A_171 = arith.constant 0 : i32
      %dma_start3A_172 = tpu.memref_slice %arg11[%add3A_26, %dma_start3A_171] : memref<20480x64xbf16, #tpu.memory_space<vmem_shared>> -> memref<128x64xbf16, #tpu.memory_space<vmem_shared>>
      tpu.enqueue_dma source(%arg9 : memref<128x64xbf16, #tpu.memory_space<vmem>>) target(%dma_start3A_172 : memref<128x64xbf16, #tpu.memory_space<vmem_shared>>) target_semaphore(%run_scoped3A : memref<!tpu.dma_semaphore, #tpu.memory_space<semaphore_mem>>)
      %dma_wait3A = arith.constant 0 : i32
      %dma_wait3A_173 = tpu.memref_slice %arg11[%add3A_26, %dma_wait3A] : memref<20480x64xbf16, #tpu.memory_space<vmem_shared>> -> memref<128x64xbf16, #tpu.memory_space<vmem_shared>>
      %dma_wait3A_174 = arith.constant 0 : i32
      %dma_wait3A_175 = tpu.memref_slice %arg11[%add3A_26, %dma_wait3A_174] : memref<20480x64xbf16, #tpu.memory_space<vmem_shared>> -> memref<128x64xbf16, #tpu.memory_space<vmem_shared>>
      tpu.wait_dma2 semaphore(%run_scoped3A : memref<!tpu.dma_semaphore, #tpu.memory_space<semaphore_mem>>) src(%arg9 : memref<128x64xbf16, #tpu.memory_space<vmem>>) dst(%dma_wait3A_175 : memref<128x64xbf16, #tpu.memory_space<vmem_shared>>)
      tpu.yield
    }) : () -> ()
    %mul3A_27 = arith.constant 1280 : i32
    %mul3A_28 = arith.muli %arg1, %mul3A_27 : i32
    %add3A_29 = arith.constant 640 : i32
    %add3A_30 = arith.addi %mul3A_28, %add3A_29 : i32
    "tpu.region"() ({
      %run_scoped3A = tpu.sem_alloc : memref<!tpu.dma_semaphore, #tpu.memory_space<semaphore_mem>>
      %dma_start3A_169 = arith.constant 0 : i32
      %dma_start3A_170 = tpu.memref_slice %arg11[%add3A_30, %dma_start3A_169] : memref<20480x64xbf16, #tpu.memory_space<vmem_shared>> -> memref<128x64xbf16, #tpu.memory_space<vmem_shared>>
      %dma_start3A_171 = arith.constant 0 : i32
      %dma_start3A_172 = tpu.memref_slice %arg11[%add3A_30, %dma_start3A_171] : memref<20480x64xbf16, #tpu.memory_space<vmem_shared>> -> memref<128x64xbf16, #tpu.memory_space<vmem_shared>>
      tpu.enqueue_dma source(%arg9 : memref<128x64xbf16, #tpu.memory_space<vmem>>) target(%dma_start3A_172 : memref<128x64xbf16, #tpu.memory_space<vmem_shared>>) target_semaphore(%run_scoped3A : memref<!tpu.dma_semaphore, #tpu.memory_space<semaphore_mem>>)
      %dma_wait3A = arith.constant 0 : i32
      %dma_wait3A_173 = tpu.memref_slice %arg11[%add3A_30, %dma_wait3A] : memref<20480x64xbf16, #tpu.memory_space<vmem_shared>> -> memref<128x64xbf16, #tpu.memory_space<vmem_shared>>
      %dma_wait3A_174 = arith.constant 0 : i32
      %dma_wait3A_175 = tpu.memref_slice %arg11[%add3A_30, %dma_wait3A_174] : memref<20480x64xbf16, #tpu.memory_space<vmem_shared>> -> memref<128x64xbf16, #tpu.memory_space<vmem_shared>>
      tpu.wait_dma2 semaphore(%run_scoped3A : memref<!tpu.dma_semaphore, #tpu.memory_space<semaphore_mem>>) src(%arg9 : memref<128x64xbf16, #tpu.memory_space<vmem>>) dst(%dma_wait3A_175 : memref<128x64xbf16, #tpu.memory_space<vmem_shared>>)
      tpu.yield
    }) : () -> ()
    %mul3A_31 = arith.constant 1280 : i32
    %mul3A_32 = arith.muli %arg1, %mul3A_31 : i32
    %add3A_33 = arith.constant 768 : i32
    %add3A_34 = arith.addi %mul3A_32, %add3A_33 : i32
    "tpu.region"() ({
      %run_scoped3A = tpu.sem_alloc : memref<!tpu.dma_semaphore, #tpu.memory_space<semaphore_mem>>
      %dma_start3A_169 = arith.constant 0 : i32
      %dma_start3A_170 = tpu.memref_slice %arg11[%add3A_34, %dma_start3A_169] : memref<20480x64xbf16, #tpu.memory_space<vmem_shared>> -> memref<128x64xbf16, #tpu.memory_space<vmem_shared>>
      %dma_start3A_171 = arith.constant 0 : i32
      %dma_start3A_172 = tpu.memref_slice %arg11[%add3A_34, %dma_start3A_171] : memref<20480x64xbf16, #tpu.memory_space<vmem_shared>> -> memref<128x64xbf16, #tpu.memory_space<vmem_shared>>
      tpu.enqueue_dma source(%arg9 : memref<128x64xbf16, #tpu.memory_space<vmem>>) target(%dma_start3A_172 : memref<128x64xbf16, #tpu.memory_space<vmem_shared>>) target_semaphore(%run_scoped3A : memref<!tpu.dma_semaphore, #tpu.memory_space<semaphore_mem>>)
      %dma_wait3A = arith.constant 0 : i32
      %dma_wait3A_173 = tpu.memref_slice %arg11[%add3A_34, %dma_wait3A] : memref<20480x64xbf16, #tpu.memory_space<vmem_shared>> -> memref<128x64xbf16, #tpu.memory_space<vmem_shared>>
      %dma_wait3A_174 = arith.constant 0 : i32
      %dma_wait3A_175 = tpu.memref_slice %arg11[%add3A_34, %dma_wait3A_174] : memref<20480x64xbf16, #tpu.memory_space<vmem_shared>> -> memref<128x64xbf16, #tpu.memory_space<vmem_shared>>
      tpu.wait_dma2 semaphore(%run_scoped3A : memref<!tpu.dma_semaphore, #tpu.memory_space<semaphore_mem>>) src(%arg9 : memref<128x64xbf16, #tpu.memory_space<vmem>>) dst(%dma_wait3A_175 : memref<128x64xbf16, #tpu.memory_space<vmem_shared>>)
      tpu.yield
    }) : () -> ()
    %mul3A_35 = arith.constant 1280 : i32
    %mul3A_36 = arith.muli %arg1, %mul3A_35 : i32
    %add3A_37 = arith.constant 896 : i32
    %add3A_38 = arith.addi %mul3A_36, %add3A_37 : i32
    "tpu.region"() ({
      %run_scoped3A = tpu.sem_alloc : memref<!tpu.dma_semaphore, #tpu.memory_space<semaphore_mem>>
      %dma_start3A_169 = arith.constant 0 : i32
      %dma_start3A_170 = tpu.memref_slice %arg11[%add3A_38, %dma_start3A_169] : memref<20480x64xbf16, #tpu.memory_space<vmem_shared>> -> memref<128x64xbf16, #tpu.memory_space<vmem_shared>>
      %dma_start3A_171 = arith.constant 0 : i32
      %dma_start3A_172 = tpu.memref_slice %arg11[%add3A_38, %dma_start3A_171] : memref<20480x64xbf16, #tpu.memory_space<vmem_shared>> -> memref<128x64xbf16, #tpu.memory_space<vmem_shared>>
      tpu.enqueue_dma source(%arg9 : memref<128x64xbf16, #tpu.memory_space<vmem>>) target(%dma_start3A_172 : memref<128x64xbf16, #tpu.memory_space<vmem_shared>>) target_semaphore(%run_scoped3A : memref<!tpu.dma_semaphore, #tpu.memory_space<semaphore_mem>>)
      %dma_wait3A = arith.constant 0 : i32
      %dma_wait3A_173 = tpu.memref_slice %arg11[%add3A_38, %dma_wait3A] : memref<20480x64xbf16, #tpu.memory_space<vmem_shared>> -> memref<128x64xbf16, #tpu.memory_space<vmem_shared>>
      %dma_wait3A_174 = arith.constant 0 : i32
      %dma_wait3A_175 = tpu.memref_slice %arg11[%add3A_38, %dma_wait3A_174] : memref<20480x64xbf16, #tpu.memory_space<vmem_shared>> -> memref<128x64xbf16, #tpu.memory_space<vmem_shared>>
      tpu.wait_dma2 semaphore(%run_scoped3A : memref<!tpu.dma_semaphore, #tpu.memory_space<semaphore_mem>>) src(%arg9 : memref<128x64xbf16, #tpu.memory_space<vmem>>) dst(%dma_wait3A_175 : memref<128x64xbf16, #tpu.memory_space<vmem_shared>>)
      tpu.yield
    }) : () -> ()
    %mul3A_39 = arith.constant 1280 : i32
    %mul3A_40 = arith.muli %arg1, %mul3A_39 : i32
    %add3A_41 = arith.constant 1024 : i32
    %add3A_42 = arith.addi %mul3A_40, %add3A_41 : i32
    "tpu.region"() ({
      %run_scoped3A = tpu.sem_alloc : memref<!tpu.dma_semaphore, #tpu.memory_space<semaphore_mem>>
      %dma_start3A_169 = arith.constant 0 : i32
      %dma_start3A_170 = tpu.memref_slice %arg11[%add3A_42, %dma_start3A_169] : memref<20480x64xbf16, #tpu.memory_space<vmem_shared>> -> memref<128x64xbf16, #tpu.memory_space<vmem_shared>>
      %dma_start3A_171 = arith.constant 0 : i32
      %dma_start3A_172 = tpu.memref_slice %arg11[%add3A_42, %dma_start3A_171] : memref<20480x64xbf16, #tpu.memory_space<vmem_shared>> -> memref<128x64xbf16, #tpu.memory_space<vmem_shared>>
      tpu.enqueue_dma source(%arg9 : memref<128x64xbf16, #tpu.memory_space<vmem>>) target(%dma_start3A_172 : memref<128x64xbf16, #tpu.memory_space<vmem_shared>>) target_semaphore(%run_scoped3A : memref<!tpu.dma_semaphore, #tpu.memory_space<semaphore_mem>>)
      %dma_wait3A = arith.constant 0 : i32
      %dma_wait3A_173 = tpu.memref_slice %arg11[%add3A_42, %dma_wait3A] : memref<20480x64xbf16, #tpu.memory_space<vmem_shared>> -> memref<128x64xbf16, #tpu.memory_space<vmem_shared>>
      %dma_wait3A_174 = arith.constant 0 : i32
      %dma_wait3A_175 = tpu.memref_slice %arg11[%add3A_42, %dma_wait3A_174] : memref<20480x64xbf16, #tpu.memory_space<vmem_shared>> -> memref<128x64xbf16, #tpu.memory_space<vmem_shared>>
      tpu.wait_dma2 semaphore(%run_scoped3A : memref<!tpu.dma_semaphore, #tpu.memory_space<semaphore_mem>>) src(%arg9 : memref<128x64xbf16, #tpu.memory_space<vmem>>) dst(%dma_wait3A_175 : memref<128x64xbf16, #tpu.memory_space<vmem_shared>>)
      tpu.yield
    }) : () -> ()
    %mul3A_43 = arith.constant 1280 : i32
    %mul3A_44 = arith.muli %arg1, %mul3A_43 : i32
    %add3A_45 = arith.constant 1152 : i32
    %add3A_46 = arith.addi %mul3A_44, %add3A_45 : i32
    "tpu.region"() ({
      %run_scoped3A = tpu.sem_alloc : memref<!tpu.dma_semaphore, #tpu.memory_space<semaphore_mem>>
      %dma_start3A_169 = arith.constant 0 : i32
      %dma_start3A_170 = tpu.memref_slice %arg11[%add3A_46, %dma_start3A_169] : memref<20480x64xbf16, #tpu.memory_space<vmem_shared>> -> memref<128x64xbf16, #tpu.memory_space<vmem_shared>>
      %dma_start3A_171 = arith.constant 0 : i32
      %dma_start3A_172 = tpu.memref_slice %arg11[%add3A_46, %dma_start3A_171] : memref<20480x64xbf16, #tpu.memory_space<vmem_shared>> -> memref<128x64xbf16, #tpu.memory_space<vmem_shared>>
      tpu.enqueue_dma source(%arg9 : memref<128x64xbf16, #tpu.memory_space<vmem>>) target(%dma_start3A_172 : memref<128x64xbf16, #tpu.memory_space<vmem_shared>>) target_semaphore(%run_scoped3A : memref<!tpu.dma_semaphore, #tpu.memory_space<semaphore_mem>>)
      %dma_wait3A = arith.constant 0 : i32
      %dma_wait3A_173 = tpu.memref_slice %arg11[%add3A_46, %dma_wait3A] : memref<20480x64xbf16, #tpu.memory_space<vmem_shared>> -> memref<128x64xbf16, #tpu.memory_space<vmem_shared>>
      %dma_wait3A_174 = arith.constant 0 : i32
      %dma_wait3A_175 = tpu.memref_slice %arg11[%add3A_46, %dma_wait3A_174] : memref<20480x64xbf16, #tpu.memory_space<vmem_shared>> -> memref<128x64xbf16, #tpu.memory_space<vmem_shared>>
      tpu.wait_dma2 semaphore(%run_scoped3A : memref<!tpu.dma_semaphore, #tpu.memory_space<semaphore_mem>>) src(%arg9 : memref<128x64xbf16, #tpu.memory_space<vmem>>) dst(%dma_wait3A_175 : memref<128x64xbf16, #tpu.memory_space<vmem_shared>>)
      tpu.yield
    }) : () -> ()
    %broadcast_in_dim3A_47 = arith.constant 0.000000e+00 : f32
    %broadcast_in_dim3A_48 = vector.broadcast %broadcast_in_dim3A_47 : f32 to vector<16xf32>
    %swap3A = arith.constant 0 : index
    %swap3A_49 = tpu.vector_load %arg14[%swap3A] {strides = array<i32>} : memref<128xf32, #tpu.memory_space<vmem>>, vector<16xf32>,
    %swap3A_50 = vector.shape_cast %swap3A_49 : vector<16xf32> to vector<16xf32>
    %swap3A_51 = vector.shape_cast %broadcast_in_dim3A_48 : vector<16xf32> to vector<16xf32>
    tpu.vector_store %arg14[%swap3A], %swap3A_51 {strides = array<i32>} : memref<128xf32, #tpu.memory_space<vmem>>, vector<16xf32>,
    %swap3A_52 = arith.constant 16 : index
    %swap3A_53 = tpu.vector_load %arg14[%swap3A_52] {strides = array<i32>} : memref<128xf32, #tpu.memory_space<vmem>>, vector<16xf32>,
    %swap3A_54 = vector.shape_cast %swap3A_53 : vector<16xf32> to vector<16xf32>
    %swap3A_55 = vector.shape_cast %broadcast_in_dim3A_48 : vector<16xf32> to vector<16xf32>
    tpu.vector_store %arg14[%swap3A_52], %swap3A_55 {strides = array<i32>} : memref<128xf32, #tpu.memory_space<vmem>>, vector<16xf32>,
    %swap3A_56 = arith.constant 32 : index
    %swap3A_57 = tpu.vector_load %arg14[%swap3A_56] {strides = array<i32>} : memref<128xf32, #tpu.memory_space<vmem>>, vector<16xf32>,
    %swap3A_58 = vector.shape_cast %swap3A_57 : vector<16xf32> to vector<16xf32>
    %swap3A_59 = vector.shape_cast %broadcast_in_dim3A_48 : vector<16xf32> to vector<16xf32>
    tpu.vector_store %arg14[%swap3A_56], %swap3A_59 {strides = array<i32>} : memref<128xf32, #tpu.memory_space<vmem>>, vector<16xf32>,
    %swap3A_60 = arith.constant 48 : index
    %swap3A_61 = tpu.vector_load %arg14[%swap3A_60] {strides = array<i32>} : memref<128xf32, #tpu.memory_space<vmem>>, vector<16xf32>,
    %swap3A_62 = vector.shape_cast %swap3A_61 : vector<16xf32> to vector<16xf32>
    %swap3A_63 = vector.shape_cast %broadcast_in_dim3A_48 : vector<16xf32> to vector<16xf32>
    tpu.vector_store %arg14[%swap3A_60], %swap3A_63 {strides = array<i32>} : memref<128xf32, #tpu.memory_space<vmem>>, vector<16xf32>,
    %swap3A_64 = arith.constant 64 : index
    %swap3A_65 = tpu.vector_load %arg14[%swap3A_64] {strides = array<i32>} : memref<128xf32, #tpu.memory_space<vmem>>, vector<16xf32>,
    %swap3A_66 = vector.shape_cast %swap3A_65 : vector<16xf32> to vector<16xf32>
    %swap3A_67 = vector.shape_cast %broadcast_in_dim3A_48 : vector<16xf32> to vector<16xf32>
    tpu.vector_store %arg14[%swap3A_64], %swap3A_67 {strides = array<i32>} : memref<128xf32, #tpu.memory_space<vmem>>, vector<16xf32>,
    %swap3A_68 = arith.constant 80 : index
    %swap3A_69 = tpu.vector_load %arg14[%swap3A_68] {strides = array<i32>} : memref<128xf32, #tpu.memory_space<vmem>>, vector<16xf32>,
    %swap3A_70 = vector.shape_cast %swap3A_69 : vector<16xf32> to vector<16xf32>
    %swap3A_71 = vector.shape_cast %broadcast_in_dim3A_48 : vector<16xf32> to vector<16xf32>
    tpu.vector_store %arg14[%swap3A_68], %swap3A_71 {strides = array<i32>} : memref<128xf32, #tpu.memory_space<vmem>>, vector<16xf32>,
    %swap3A_72 = arith.constant 96 : index
    %swap3A_73 = tpu.vector_load %arg14[%swap3A_72] {strides = array<i32>} : memref<128xf32, #tpu.memory_space<vmem>>, vector<16xf32>,
    %swap3A_74 = vector.shape_cast %swap3A_73 : vector<16xf32> to vector<16xf32>
    %swap3A_75 = vector.shape_cast %broadcast_in_dim3A_48 : vector<16xf32> to vector<16xf32>
    tpu.vector_store %arg14[%swap3A_72], %swap3A_75 {strides = array<i32>} : memref<128xf32, #tpu.memory_space<vmem>>, vector<16xf32>,
    %swap3A_76 = arith.constant 112 : index
    %swap3A_77 = tpu.vector_load %arg14[%swap3A_76] {strides = array<i32>} : memref<128xf32, #tpu.memory_space<vmem>>, vector<16xf32>,
    %swap3A_78 = vector.shape_cast %swap3A_77 : vector<16xf32> to vector<16xf32>
    %swap3A_79 = vector.shape_cast %broadcast_in_dim3A_48 : vector<16xf32> to vector<16xf32>
    tpu.vector_store %arg14[%swap3A_76], %swap3A_79 {strides = array<i32>} : memref<128xf32, #tpu.memory_space<vmem>>, vector<16xf32>,
    %mul3A_80 = arith.constant 1280 : i32
    %mul3A_81 = arith.muli %arg1, %mul3A_80 : i32
    %add3A_82 = arith.constant 0 : i32
    %add3A_83 = arith.addi %mul3A_81, %add3A_82 : i32
    "tpu.region"() ({
      %run_scoped3A = tpu.sem_alloc : memref<!tpu.dma_semaphore, #tpu.memory_space<semaphore_mem>>
      %dma_start3A_169 = tpu.memref_slice %arg15[%add3A_83] : memref<20480xf32, #tpu.memory_space<vmem_shared>> -> memref<128xf32, #tpu.memory_space<vmem_shared>>
      %dma_start3A_170 = tpu.memref_slice %arg15[%add3A_83] : memref<20480xf32, #tpu.memory_space<vmem_shared>> -> memref<128xf32, #tpu.memory_space<vmem_shared>>
      tpu.enqueue_dma source(%arg14 : memref<128xf32, #tpu.memory_space<vmem>>) target(%dma_start3A_170 : memref<128xf32, #tpu.memory_space<vmem_shared>>) target_semaphore(%run_scoped3A : memref<!tpu.dma_semaphore, #tpu.memory_space<semaphore_mem>>)
      %dma_wait3A = tpu.memref_slice %arg15[%add3A_83] : memref<20480xf32, #tpu.memory_space<vmem_shared>> -> memref<128xf32, #tpu.memory_space<vmem_shared>>
      %dma_wait3A_171 = tpu.memref_slice %arg15[%add3A_83] : memref<20480xf32, #tpu.memory_space<vmem_shared>> -> memref<128xf32, #tpu.memory_space<vmem_shared>>
      tpu.wait_dma2 semaphore(%run_scoped3A : memref<!tpu.dma_semaphore, #tpu.memory_space<semaphore_mem>>) src(%arg14 : memref<128xf32, #tpu.memory_space<vmem>>) dst(%dma_wait3A_171 : memref<128xf32, #tpu.memory_space<vmem_shared>>)
      tpu.yield
    }) : () -> ()
    %mul3A_84 = arith.constant 1280 : i32
    %mul3A_85 = arith.muli %arg1, %mul3A_84 : i32
    %add3A_86 = arith.constant 128 : i32
    %add3A_87 = arith.addi %mul3A_85, %add3A_86 : i32
    "tpu.region"() ({
      %run_scoped3A = tpu.sem_alloc : memref<!tpu.dma_semaphore, #tpu.memory_space<semaphore_mem>>
      %dma_start3A_169 = tpu.memref_slice %arg15[%add3A_87] : memref<20480xf32, #tpu.memory_space<vmem_shared>> -> memref<128xf32, #tpu.memory_space<vmem_shared>>
      %dma_start3A_170 = tpu.memref_slice %arg15[%add3A_87] : memref<20480xf32, #tpu.memory_space<vmem_shared>> -> memref<128xf32, #tpu.memory_space<vmem_shared>>
      tpu.enqueue_dma source(%arg14 : memref<128xf32, #tpu.memory_space<vmem>>) target(%dma_start3A_170 : memref<128xf32, #tpu.memory_space<vmem_shared>>) target_semaphore(%run_scoped3A : memref<!tpu.dma_semaphore, #tpu.memory_space<semaphore_mem>>)
      %dma_wait3A = tpu.memref_slice %arg15[%add3A_87] : memref<20480xf32, #tpu.memory_space<vmem_shared>> -> memref<128xf32, #tpu.memory_space<vmem_shared>>
      %dma_wait3A_171 = tpu.memref_slice %arg15[%add3A_87] : memref<20480xf32, #tpu.memory_space<vmem_shared>> -> memref<128xf32, #tpu.memory_space<vmem_shared>>
      tpu.wait_dma2 semaphore(%run_scoped3A : memref<!tpu.dma_semaphore, #tpu.memory_space<semaphore_mem>>) src(%arg14 : memref<128xf32, #tpu.memory_space<vmem>>) dst(%dma_wait3A_171 : memref<128xf32, #tpu.memory_space<vmem_shared>>)
      tpu.yield
    }) : () -> ()
    %mul3A_88 = arith.constant 1280 : i32
    %mul3A_89 = arith.muli %arg1, %mul3A_88 : i32
    %add3A_90 = arith.constant 256 : i32
    %add3A_91 = arith.addi %mul3A_89, %add3A_90 : i32
    "tpu.region"() ({
      %run_scoped3A = tpu.sem_alloc : memref<!tpu.dma_semaphore, #tpu.memory_space<semaphore_mem>>
      %dma_start3A_169 = tpu.memref_slice %arg15[%add3A_91] : memref<20480xf32, #tpu.memory_space<vmem_shared>> -> memref<128xf32, #tpu.memory_space<vmem_shared>>
      %dma_start3A_170 = tpu.memref_slice %arg15[%add3A_91] : memref<20480xf32, #tpu.memory_space<vmem_shared>> -> memref<128xf32, #tpu.memory_space<vmem_shared>>
      tpu.enqueue_dma source(%arg14 : memref<128xf32, #tpu.memory_space<vmem>>) target(%dma_start3A_170 : memref<128xf32, #tpu.memory_space<vmem_shared>>) target_semaphore(%run_scoped3A : memref<!tpu.dma_semaphore, #tpu.memory_space<semaphore_mem>>)
      %dma_wait3A = tpu.memref_slice %arg15[%add3A_91] : memref<20480xf32, #tpu.memory_space<vmem_shared>> -> memref<128xf32, #tpu.memory_space<vmem_shared>>
      %dma_wait3A_171 = tpu.memref_slice %arg15[%add3A_91] : memref<20480xf32, #tpu.memory_space<vmem_shared>> -> memref<128xf32, #tpu.memory_space<vmem_shared>>
      tpu.wait_dma2 semaphore(%run_scoped3A : memref<!tpu.dma_semaphore, #tpu.memory_space<semaphore_mem>>) src(%arg14 : memref<128xf32, #tpu.memory_space<vmem>>) dst(%dma_wait3A_171 : memref<128xf32, #tpu.memory_space<vmem_shared>>)
      tpu.yield
    }) : () -> ()
    %mul3A_92 = arith.constant 1280 : i32
    %mul3A_93 = arith.muli %arg1, %mul3A_92 : i32
    %add3A_94 = arith.constant 384 : i32
    %add3A_95 = arith.addi %mul3A_93, %add3A_94 : i32
    "tpu.region"() ({
      %run_scoped3A = tpu.sem_alloc : memref<!tpu.dma_semaphore, #tpu.memory_space<semaphore_mem>>
      %dma_start3A_169 = tpu.memref_slice %arg15[%add3A_95] : memref<20480xf32, #tpu.memory_space<vmem_shared>> -> memref<128xf32, #tpu.memory_space<vmem_shared>>
      %dma_start3A_170 = tpu.memref_slice %arg15[%add3A_95] : memref<20480xf32, #tpu.memory_space<vmem_shared>> -> memref<128xf32, #tpu.memory_space<vmem_shared>>
      tpu.enqueue_dma source(%arg14 : memref<128xf32, #tpu.memory_space<vmem>>) target(%dma_start3A_170 : memref<128xf32, #tpu.memory_space<vmem_shared>>) target_semaphore(%run_scoped3A : memref<!tpu.dma_semaphore, #tpu.memory_space<semaphore_mem>>)
      %dma_wait3A = tpu.memref_slice %arg15[%add3A_95] : memref<20480xf32, #tpu.memory_space<vmem_shared>> -> memref<128xf32, #tpu.memory_space<vmem_shared>>
      %dma_wait3A_171 = tpu.memref_slice %arg15[%add3A_95] : memref<20480xf32, #tpu.memory_space<vmem_shared>> -> memref<128xf32, #tpu.memory_space<vmem_shared>>
      tpu.wait_dma2 semaphore(%run_scoped3A : memref<!tpu.dma_semaphore, #tpu.memory_space<semaphore_mem>>) src(%arg14 : memref<128xf32, #tpu.memory_space<vmem>>) dst(%dma_wait3A_171 : memref<128xf32, #tpu.memory_space<vmem_shared>>)
      tpu.yield
    }) : () -> ()
    %mul3A_96 = arith.constant 1280 : i32
    %mul3A_97 = arith.muli %arg1, %mul3A_96 : i32
    %add3A_98 = arith.constant 512 : i32
    %add3A_99 = arith.addi %mul3A_97, %add3A_98 : i32
    "tpu.region"() ({
      %run_scoped3A = tpu.sem_alloc : memref<!tpu.dma_semaphore, #tpu.memory_space<semaphore_mem>>
      %dma_start3A_169 = tpu.memref_slice %arg15[%add3A_99] : memref<20480xf32, #tpu.memory_space<vmem_shared>> -> memref<128xf32, #tpu.memory_space<vmem_shared>>
      %dma_start3A_170 = tpu.memref_slice %arg15[%add3A_99] : memref<20480xf32, #tpu.memory_space<vmem_shared>> -> memref<128xf32, #tpu.memory_space<vmem_shared>>
      tpu.enqueue_dma source(%arg14 : memref<128xf32, #tpu.memory_space<vmem>>) target(%dma_start3A_170 : memref<128xf32, #tpu.memory_space<vmem_shared>>) target_semaphore(%run_scoped3A : memref<!tpu.dma_semaphore, #tpu.memory_space<semaphore_mem>>)
      %dma_wait3A = tpu.memref_slice %arg15[%add3A_99] : memref<20480xf32, #tpu.memory_space<vmem_shared>> -> memref<128xf32, #tpu.memory_space<vmem_shared>>
      %dma_wait3A_171 = tpu.memref_slice %arg15[%add3A_99] : memref<20480xf32, #tpu.memory_space<vmem_shared>> -> memref<128xf32, #tpu.memory_space<vmem_shared>>
      tpu.wait_dma2 semaphore(%run_scoped3A : memref<!tpu.dma_semaphore, #tpu.memory_space<semaphore_mem>>) src(%arg14 : memref<128xf32, #tpu.memory_space<vmem>>) dst(%dma_wait3A_171 : memref<128xf32, #tpu.memory_space<vmem_shared>>)
      tpu.yield
    }) : () -> ()
    %mul3A_100 = arith.constant 1280 : i32
    %mul3A_101 = arith.muli %arg1, %mul3A_100 : i32
    %add3A_102 = arith.constant 640 : i32
    %add3A_103 = arith.addi %mul3A_101, %add3A_102 : i32
    "tpu.region"() ({
      %run_scoped3A = tpu.sem_alloc : memref<!tpu.dma_semaphore, #tpu.memory_space<semaphore_mem>>
      %dma_start3A_169 = tpu.memref_slice %arg15[%add3A_103] : memref<20480xf32, #tpu.memory_space<vmem_shared>> -> memref<128xf32, #tpu.memory_space<vmem_shared>>
      %dma_start3A_170 = tpu.memref_slice %arg15[%add3A_103] : memref<20480xf32, #tpu.memory_space<vmem_shared>> -> memref<128xf32, #tpu.memory_space<vmem_shared>>
      tpu.enqueue_dma source(%arg14 : memref<128xf32, #tpu.memory_space<vmem>>) target(%dma_start3A_170 : memref<128xf32, #tpu.memory_space<vmem_shared>>) target_semaphore(%run_scoped3A : memref<!tpu.dma_semaphore, #tpu.memory_space<semaphore_mem>>)
      %dma_wait3A = tpu.memref_slice %arg15[%add3A_103] : memref<20480xf32, #tpu.memory_space<vmem_shared>> -> memref<128xf32, #tpu.memory_space<vmem_shared>>
      %dma_wait3A_171 = tpu.memref_slice %arg15[%add3A_103] : memref<20480xf32, #tpu.memory_space<vmem_shared>> -> memref<128xf32, #tpu.memory_space<vmem_shared>>
      tpu.wait_dma2 semaphore(%run_scoped3A : memref<!tpu.dma_semaphore, #tpu.memory_space<semaphore_mem>>) src(%arg14 : memref<128xf32, #tpu.memory_space<vmem>>) dst(%dma_wait3A_171 : memref<128xf32, #tpu.memory_space<vmem_shared>>)
      tpu.yield
    }) : () -> ()
    %mul3A_104 = arith.constant 1280 : i32
    %mul3A_105 = arith.muli %arg1, %mul3A_104 : i32
    %add3A_106 = arith.constant 768 : i32
    %add3A_107 = arith.addi %mul3A_105, %add3A_106 : i32
    "tpu.region"() ({
      %run_scoped3A = tpu.sem_alloc : memref<!tpu.dma_semaphore, #tpu.memory_space<semaphore_mem>>
      %dma_start3A_169 = tpu.memref_slice %arg15[%add3A_107] : memref<20480xf32, #tpu.memory_space<vmem_shared>> -> memref<128xf32, #tpu.memory_space<vmem_shared>>
      %dma_start3A_170 = tpu.memref_slice %arg15[%add3A_107] : memref<20480xf32, #tpu.memory_space<vmem_shared>> -> memref<128xf32, #tpu.memory_space<vmem_shared>>
      tpu.enqueue_dma source(%arg14 : memref<128xf32, #tpu.memory_space<vmem>>) target(%dma_start3A_170 : memref<128xf32, #tpu.memory_space<vmem_shared>>) target_semaphore(%run_scoped3A : memref<!tpu.dma_semaphore, #tpu.memory_space<semaphore_mem>>)
      %dma_wait3A = tpu.memref_slice %arg15[%add3A_107] : memref<20480xf32, #tpu.memory_space<vmem_shared>> -> memref<128xf32, #tpu.memory_space<vmem_shared>>
      %dma_wait3A_171 = tpu.memref_slice %arg15[%add3A_107] : memref<20480xf32, #tpu.memory_space<vmem_shared>> -> memref<128xf32, #tpu.memory_space<vmem_shared>>
      tpu.wait_dma2 semaphore(%run_scoped3A : memref<!tpu.dma_semaphore, #tpu.memory_space<semaphore_mem>>) src(%arg14 : memref<128xf32, #tpu.memory_space<vmem>>) dst(%dma_wait3A_171 : memref<128xf32, #tpu.memory_space<vmem_shared>>)
      tpu.yield
    }) : () -> ()
    %mul3A_108 = arith.constant 1280 : i32
    %mul3A_109 = arith.muli %arg1, %mul3A_108 : i32
    %add3A_110 = arith.constant 896 : i32
    %add3A_111 = arith.addi %mul3A_109, %add3A_110 : i32
    "tpu.region"() ({
      %run_scoped3A = tpu.sem_alloc : memref<!tpu.dma_semaphore, #tpu.memory_space<semaphore_mem>>
      %dma_start3A_169 = tpu.memref_slice %arg15[%add3A_111] : memref<20480xf32, #tpu.memory_space<vmem_shared>> -> memref<128xf32, #tpu.memory_space<vmem_shared>>
      %dma_start3A_170 = tpu.memref_slice %arg15[%add3A_111] : memref<20480xf32, #tpu.memory_space<vmem_shared>> -> memref<128xf32, #tpu.memory_space<vmem_shared>>
      tpu.enqueue_dma source(%arg14 : memref<128xf32, #tpu.memory_space<vmem>>) target(%dma_start3A_170 : memref<128xf32, #tpu.memory_space<vmem_shared>>) target_semaphore(%run_scoped3A : memref<!tpu.dma_semaphore, #tpu.memory_space<semaphore_mem>>)
      %dma_wait3A = tpu.memref_slice %arg15[%add3A_111] : memref<20480xf32, #tpu.memory_space<vmem_shared>> -> memref<128xf32, #tpu.memory_space<vmem_shared>>
      %dma_wait3A_171 = tpu.memref_slice %arg15[%add3A_111] : memref<20480xf32, #tpu.memory_space<vmem_shared>> -> memref<128xf32, #tpu.memory_space<vmem_shared>>
      tpu.wait_dma2 semaphore(%run_scoped3A : memref<!tpu.dma_semaphore, #tpu.memory_space<semaphore_mem>>) src(%arg14 : memref<128xf32, #tpu.memory_space<vmem>>) dst(%dma_wait3A_171 : memref<128xf32, #tpu.memory_space<vmem_shared>>)
      tpu.yield
    }) : () -> ()
    %mul3A_112 = arith.constant 1280 : i32
    %mul3A_113 = arith.muli %arg1, %mul3A_112 : i32
    %add3A_114 = arith.constant 1024 : i32
    %add3A_115 = arith.addi %mul3A_113, %add3A_114 : i32
    "tpu.region"() ({
      %run_scoped3A = tpu.sem_alloc : memref<!tpu.dma_semaphore, #tpu.memory_space<semaphore_mem>>
      %dma_start3A_169 = tpu.memref_slice %arg15[%add3A_115] : memref<20480xf32, #tpu.memory_space<vmem_shared>> -> memref<128xf32, #tpu.memory_space<vmem_shared>>
      %dma_start3A_170 = tpu.memref_slice %arg15[%add3A_115] : memref<20480xf32, #tpu.memory_space<vmem_shared>> -> memref<128xf32, #tpu.memory_space<vmem_shared>>
      tpu.enqueue_dma source(%arg14 : memref<128xf32, #tpu.memory_space<vmem>>) target(%dma_start3A_170 : memref<128xf32, #tpu.memory_space<vmem_shared>>) target_semaphore(%run_scoped3A : memref<!tpu.dma_semaphore, #tpu.memory_space<semaphore_mem>>)
      %dma_wait3A = tpu.memref_slice %arg15[%add3A_115] : memref<20480xf32, #tpu.memory_space<vmem_shared>> -> memref<128xf32, #tpu.memory_space<vmem_shared>>
      %dma_wait3A_171 = tpu.memref_slice %arg15[%add3A_115] : memref<20480xf32, #tpu.memory_space<vmem_shared>> -> memref<128xf32, #tpu.memory_space<vmem_shared>>
      tpu.wait_dma2 semaphore(%run_scoped3A : memref<!tpu.dma_semaphore, #tpu.memory_space<semaphore_mem>>) src(%arg14 : memref<128xf32, #tpu.memory_space<vmem>>) dst(%dma_wait3A_171 : memref<128xf32, #tpu.memory_space<vmem_shared>>)
      tpu.yield
    }) : () -> ()
    %mul3A_116 = arith.constant 1280 : i32
    %mul3A_117 = arith.muli %arg1, %mul3A_116 : i32
    %add3A_118 = arith.constant 1152 : i32
    %add3A_119 = arith.addi %mul3A_117, %add3A_118 : i32
    "tpu.region"() ({
      %run_scoped3A = tpu.sem_alloc : memref<!tpu.dma_semaphore, #tpu.memory_space<semaphore_mem>>
      %dma_start3A_169 = tpu.memref_slice %arg15[%add3A_119] : memref<20480xf32, #tpu.memory_space<vmem_shared>> -> memref<128xf32, #tpu.memory_space<vmem_shared>>
      %dma_start3A_170 = tpu.memref_slice %arg15[%add3A_119] : memref<20480xf32, #tpu.memory_space<vmem_shared>> -> memref<128xf32, #tpu.memory_space<vmem_shared>>
      tpu.enqueue_dma source(%arg14 : memref<128xf32, #tpu.memory_space<vmem>>) target(%dma_start3A_170 : memref<128xf32, #tpu.memory_space<vmem_shared>>) target_semaphore(%run_scoped3A : memref<!tpu.dma_semaphore, #tpu.memory_space<semaphore_mem>>)
      %dma_wait3A = tpu.memref_slice %arg15[%add3A_119] : memref<20480xf32, #tpu.memory_space<vmem_shared>> -> memref<128xf32, #tpu.memory_space<vmem_shared>>
      %dma_wait3A_171 = tpu.memref_slice %arg15[%add3A_119] : memref<20480xf32, #tpu.memory_space<vmem_shared>> -> memref<128xf32, #tpu.memory_space<vmem_shared>>
      tpu.wait_dma2 semaphore(%run_scoped3A : memref<!tpu.dma_semaphore, #tpu.memory_space<semaphore_mem>>) src(%arg14 : memref<128xf32, #tpu.memory_space<vmem>>) dst(%dma_wait3A_171 : memref<128xf32, #tpu.memory_space<vmem_shared>>)
      tpu.yield
    }) : () -> ()
    %broadcast_in_dim3A_120 = arith.constant 1.000000e+00 : f32
    %broadcast_in_dim3A_121 = vector.broadcast %broadcast_in_dim3A_120 : f32 to vector<16xf32>
    %swap3A_122 = arith.constant 0 : index
    %swap3A_123 = tpu.vector_load %arg14[%swap3A_122] {strides = array<i32>} : memref<128xf32, #tpu.memory_space<vmem>>, vector<16xf32>,
    %swap3A_124 = vector.shape_cast %swap3A_123 : vector<16xf32> to vector<16xf32>
    %swap3A_125 = vector.shape_cast %broadcast_in_dim3A_121 : vector<16xf32> to vector<16xf32>
    tpu.vector_store %arg14[%swap3A_122], %swap3A_125 {strides = array<i32>} : memref<128xf32, #tpu.memory_space<vmem>>, vector<16xf32>,
    %swap3A_126 = arith.constant 16 : index
    %swap3A_127 = tpu.vector_load %arg14[%swap3A_126] {strides = array<i32>} : memref<128xf32, #tpu.memory_space<vmem>>, vector<16xf32>,
    %swap3A_128 = vector.shape_cast %swap3A_127 : vector<16xf32> to vector<16xf32>
    %swap3A_129 = vector.shape_cast %broadcast_in_dim3A_121 : vector<16xf32> to vector<16xf32>
    tpu.vector_store %arg14[%swap3A_126], %swap3A_129 {strides = array<i32>} : memref<128xf32, #tpu.memory_space<vmem>>, vector<16xf32>,
    %swap3A_130 = arith.constant 32 : index
    %swap3A_131 = tpu.vector_load %arg14[%swap3A_130] {strides = array<i32>} : memref<128xf32, #tpu.memory_space<vmem>>, vector<16xf32>,
    %swap3A_132 = vector.shape_cast %swap3A_131 : vector<16xf32> to vector<16xf32>
    %swap3A_133 = vector.shape_cast %broadcast_in_dim3A_121 : vector<16xf32> to vector<16xf32>
    tpu.vector_store %arg14[%swap3A_130], %swap3A_133 {strides = array<i32>} : memref<128xf32, #tpu.memory_space<vmem>>, vector<16xf32>,
    %swap3A_134 = arith.constant 48 : index
    %swap3A_135 = tpu.vector_load %arg14[%swap3A_134] {strides = array<i32>} : memref<128xf32, #tpu.memory_space<vmem>>, vector<16xf32>,
    %swap3A_136 = vector.shape_cast %swap3A_135 : vector<16xf32> to vector<16xf32>
    %swap3A_137 = vector.shape_cast %broadcast_in_dim3A_121 : vector<16xf32> to vector<16xf32>
    tpu.vector_store %arg14[%swap3A_134], %swap3A_137 {strides = array<i32>} : memref<128xf32, #tpu.memory_space<vmem>>, vector<16xf32>,
    %swap3A_138 = arith.constant 64 : index
    %swap3A_139 = tpu.vector_load %arg14[%swap3A_138] {strides = array<i32>} : memref<128xf32, #tpu.memory_space<vmem>>, vector<16xf32>,
    %swap3A_140 = vector.shape_cast %swap3A_139 : vector<16xf32> to vector<16xf32>
    %swap3A_141 = vector.shape_cast %broadcast_in_dim3A_121 : vector<16xf32> to vector<16xf32>
    tpu.vector_store %arg14[%swap3A_138], %swap3A_141 {strides = array<i32>} : memref<128xf32, #tpu.memory_space<vmem>>, vector<16xf32>,
    %swap3A_142 = arith.constant 80 : index
    %swap3A_143 = tpu.vector_load %arg14[%swap3A_142] {strides = array<i32>} : memref<128xf32, #tpu.memory_space<vmem>>, vector<16xf32>,
    %swap3A_144 = vector.shape_cast %swap3A_143 : vector<16xf32> to vector<16xf32>
    %swap3A_145 = vector.shape_cast %broadcast_in_dim3A_121 : vector<16xf32> to vector<16xf32>
    tpu.vector_store %arg14[%swap3A_142], %swap3A_145 {strides = array<i32>} : memref<128xf32, #tpu.memory_space<vmem>>, vector<16xf32>,
    %swap3A_146 = arith.constant 96 : index
    %swap3A_147 = tpu.vector_load %arg14[%swap3A_146] {strides = array<i32>} : memref<128xf32, #tpu.memory_space<vmem>>, vector<16xf32>,
    %swap3A_148 = vector.shape_cast %swap3A_147 : vector<16xf32> to vector<16xf32>
    %swap3A_149 = vector.shape_cast %broadcast_in_dim3A_121 : vector<16xf32> to vector<16xf32>
    tpu.vector_store %arg14[%swap3A_146], %swap3A_149 {strides = array<i32>} : memref<128xf32, #tpu.memory_space<vmem>>, vector<16xf32>,
    %swap3A_150 = arith.constant 112 : index
    %swap3A_151 = tpu.vector_load %arg14[%swap3A_150] {strides = array<i32>} : memref<128xf32, #tpu.memory_space<vmem>>, vector<16xf32>,
    %swap3A_152 = vector.shape_cast %swap3A_151 : vector<16xf32> to vector<16xf32>
    %swap3A_153 = vector.shape_cast %broadcast_in_dim3A_121 : vector<16xf32> to vector<16xf32>
    tpu.vector_store %arg14[%swap3A_150], %swap3A_153 {strides = array<i32>} : memref<128xf32, #tpu.memory_space<vmem>>, vector<16xf32>,
    %barrier3A = arith.constant 0 : index
    tpu.barrier barrier_id(%barrier3A)
    %dma_start3A = arith.constant 0 : i32
    %dma_start3A_154 = arith.constant 0 : i32
    %dma_start3A_155 = tpu.memref_slice %arg7[%dma_start3A, %dma_start3A_154] : memref<158x128xi32, #tpu.memory_space<vmem>> -> memref<1x128xi32, #tpu.memory_space<vmem>>
    %dma_start3A_156 = tpu.memref_squeeze %dma_start3A_155 : memref<1x128xi32, #tpu.memory_space<vmem>> -> memref<128xi32, #tpu.memory_space<vmem>>
    %dma_start3A_157 = arith.constant 0 : i32
    %dma_start3A_158 = arith.constant 0 : i32
    %dma_start3A_159 = tpu.memref_slice %arg2[%dma_start3A_157, %dma_start3A_158] : memref<20480x64xbf16, #tpu.memory_space<hbm>> -> memref<20480x64xbf16, #tpu.memory_space<hbm>>
    tpu.enqueue_indirect_dma source(%dma_start3A_159 : memref<20480x64xbf16, #tpu.memory_space<hbm>>) target(%arg9 : memref<128x64xbf16, #tpu.memory_space<vmem>>) offsets(%dma_start3A_156 : memref<128xi32, #tpu.memory_space<vmem>>) semaphore(%arg12 : memref<!tpu.dma_semaphore, #tpu.memory_space<semaphore_mem>>)
    %scan3A_160 = arith.constant 0 : i32
    %scan3A_161 = arith.constant 0 : i32
    %scan3A_162 = arith.constant 79 : i32
    %scan3A_163 = arith.addi %scan3A_161, %scan3A_162 : i32
    %scan3A_164 = arith.constant 1 : i32
    scf.for %scan3A_169 = %scan3A_161 to %scan3A_163 step %scan3A_164  : i32 {
      %mul3A_170 = arith.constant 2 : i32
      %mul3A_171 = arith.muli %scan3A_169, %mul3A_170 : i32
      %add3A_172 = arith.constant 0 : i32
      %add3A_173 = arith.addi %mul3A_171, %add3A_172 : i32
      %dma_wait3A = arith.constant 0 : i32
      %dma_wait3A_174 = tpu.memref_slice %arg7[%add3A_173, %dma_wait3A] : memref<158x128xi32, #tpu.memory_space<vmem>> -> memref<1x128xi32, #tpu.memory_space<vmem>>
      %dma_wait3A_175 = tpu.memref_squeeze %dma_wait3A_174 : memref<1x128xi32, #tpu.memory_space<vmem>> -> memref<128xi32, #tpu.memory_space<vmem>>
      %dma_wait3A_176 = arith.constant 0 : i32
      %dma_wait3A_177 = arith.constant 0 : i32
      %dma_wait3A_178 = tpu.memref_slice %arg2[%dma_wait3A_176, %dma_wait3A_177] : memref<20480x64xbf16, #tpu.memory_space<hbm>> -> memref<20480x64xbf16, #tpu.memory_space<hbm>>
      tpu.wait_indirect_dma semaphore(%arg12 : memref<!tpu.dma_semaphore, #tpu.memory_space<semaphore_mem>>) src(%dma_wait3A_178 : memref<20480x64xbf16, #tpu.memory_space<hbm>>) dst(%arg9 : memref<128x64xbf16, #tpu.memory_space<vmem>>)
      %add3A_179 = arith.constant 1 : i32
      %add3A_180 = arith.addi %add3A_173, %add3A_179 : i32
      %lt3A = arith.constant 158 : i32
      %lt3A_181 = arith.cmpi slt, %add3A_180, %lt3A : i32
      %convert_element_type3A = arith.extui %lt3A_181 : i1 to i32
      %cond3A = arith.constant 0 : i32
      %cond3A_182 = arith.cmpi ne, %convert_element_type3A, %cond3A : i32
      scf.if %cond3A_182 {
        %add3A_200 = arith.constant 1 : i32
        %add3A_201 = arith.addi %add3A_173, %add3A_200 : i32
        %dma_start3A_202 = arith.constant 0 : i32
        %dma_start3A_203 = tpu.memref_slice %arg7[%add3A_201, %dma_start3A_202] : memref<158x128xi32, #tpu.memory_space<vmem>> -> memref<1x128xi32, #tpu.memory_space<vmem>>
        %dma_start3A_204 = tpu.memref_squeeze %dma_start3A_203 : memref<1x128xi32, #tpu.memory_space<vmem>> -> memref<128xi32, #tpu.memory_space<vmem>>
        %dma_start3A_205 = arith.constant 0 : i32
        %dma_start3A_206 = arith.constant 0 : i32
        %dma_start3A_207 = tpu.memref_slice %arg2[%dma_start3A_205, %dma_start3A_206] : memref<20480x64xbf16, #tpu.memory_space<hbm>> -> memref<20480x64xbf16, #tpu.memory_space<hbm>>
        tpu.enqueue_indirect_dma source(%dma_start3A_207 : memref<20480x64xbf16, #tpu.memory_space<hbm>>) target(%arg10 : memref<128x64xbf16, #tpu.memory_space<vmem>>) offsets(%dma_start3A_204 : memref<128xi32, #tpu.memory_space<vmem>>) semaphore(%arg13 : memref<!tpu.dma_semaphore, #tpu.memory_space<semaphore_mem>>)
      } else {
      }
      "tpu.region"() ({
        %run_scoped3A = tpu.sem_alloc : memref<!tpu.dma_semaphore, #tpu.memory_space<semaphore_mem>>
        %dma_start3A_200 = arith.constant 0 : i32
        %dma_start3A_201 = tpu.memref_slice %arg8[%add3A_173, %dma_start3A_200] : memref<158x128xi32, #tpu.memory_space<vmem>> -> memref<1x128xi32, #tpu.memory_space<vmem>>
        %dma_start3A_202 = tpu.memref_squeeze %dma_start3A_201 : memref<1x128xi32, #tpu.memory_space<vmem>> -> memref<128xi32, #tpu.memory_space<vmem>>
        %dma_start3A_203 = arith.constant 0 : i32
        %dma_start3A_204 = arith.constant 0 : i32
        %dma_start3A_205 = tpu.memref_slice %arg11[%dma_start3A_203, %dma_start3A_204] : memref<20480x64xbf16, #tpu.memory_space<vmem_shared>> -> memref<20480x64xbf16, #tpu.memory_space<vmem_shared>>
        tpu.enqueue_indirect_dma source(%arg9 : memref<128x64xbf16, #tpu.memory_space<vmem>>) target(%dma_start3A_205 : memref<20480x64xbf16, #tpu.memory_space<vmem_shared>>) offsets(%dma_start3A_202 : memref<128xi32, #tpu.memory_space<vmem>>) semaphore(%run_scoped3A : memref<!tpu.dma_semaphore, #tpu.memory_space<semaphore_mem>>) {add = true}
        %dma_wait3A_206 = arith.constant 0 : i32
        %dma_wait3A_207 = tpu.memref_slice %arg8[%add3A_173, %dma_wait3A_206] : memref<158x128xi32, #tpu.memory_space<vmem>> -> memref<1x128xi32, #tpu.memory_space<vmem>>
        %dma_wait3A_208 = tpu.memref_squeeze %dma_wait3A_207 : memref<1x128xi32, #tpu.memory_space<vmem>> -> memref<128xi32, #tpu.memory_space<vmem>>
        %dma_wait3A_209 = arith.constant 0 : i32
        %dma_wait3A_210 = arith.constant 0 : i32
        %dma_wait3A_211 = tpu.memref_slice %arg11[%dma_wait3A_209, %dma_wait3A_210] : memref<20480x64xbf16, #tpu.memory_space<vmem_shared>> -> memref<20480x64xbf16, #tpu.memory_space<vmem_shared>>
        tpu.wait_indirect_dma semaphore(%run_scoped3A : memref<!tpu.dma_semaphore, #tpu.memory_space<semaphore_mem>>) src(%arg9 : memref<128x64xbf16, #tpu.memory_space<vmem>>) dst(%dma_wait3A_211 : memref<20480x64xbf16, #tpu.memory_space<vmem_shared>>)
        tpu.yield
      }) : () -> ()
      "tpu.region"() ({
        %run_scoped3A = tpu.sem_alloc : memref<!tpu.dma_semaphore, #tpu.memory_space<semaphore_mem>>
        %dma_start3A_200 = arith.constant 0 : i32
        %dma_start3A_201 = tpu.memref_slice %arg8[%add3A_173, %dma_start3A_200] : memref<158x128xi32, #tpu.memory_space<vmem>> -> memref<1x128xi32, #tpu.memory_space<vmem>>
        %dma_start3A_202 = tpu.memref_squeeze %dma_start3A_201 : memref<1x128xi32, #tpu.memory_space<vmem>> -> memref<128xi32, #tpu.memory_space<vmem>>
        %dma_start3A_203 = arith.constant 0 : i32
        %dma_start3A_204 = tpu.memref_slice %arg15[%dma_start3A_203] : memref<20480xf32, #tpu.memory_space<vmem_shared>> -> memref<20480xf32, #tpu.memory_space<vmem_shared>>
        tpu.enqueue_indirect_dma source(%arg14 : memref<128xf32, #tpu.memory_space<vmem>>) target(%dma_start3A_204 : memref<20480xf32, #tpu.memory_space<vmem_shared>>) offsets(%dma_start3A_202 : memref<128xi32, #tpu.memory_space<vmem>>) semaphore(%run_scoped3A : memref<!tpu.dma_semaphore, #tpu.memory_space<semaphore_mem>>) {add = true}
        %dma_wait3A_205 = arith.constant 0 : i32
        %dma_wait3A_206 = tpu.memref_slice %arg8[%add3A_173, %dma_wait3A_205] : memref<158x128xi32, #tpu.memory_space<vmem>> -> memref<1x128xi32, #tpu.memory_space<vmem>>
        %dma_wait3A_207 = tpu.memref_squeeze %dma_wait3A_206 : memref<1x128xi32, #tpu.memory_space<vmem>> -> memref<128xi32, #tpu.memory_space<vmem>>
        %dma_wait3A_208 = arith.constant 0 : i32
        %dma_wait3A_209 = tpu.memref_slice %arg15[%dma_wait3A_208] : memref<20480xf32, #tpu.memory_space<vmem_shared>> -> memref<20480xf32, #tpu.memory_space<vmem_shared>>
        tpu.wait_indirect_dma semaphore(%run_scoped3A : memref<!tpu.dma_semaphore, #tpu.memory_space<semaphore_mem>>) src(%arg14 : memref<128xf32, #tpu.memory_space<vmem>>) dst(%dma_wait3A_209 : memref<20480xf32, #tpu.memory_space<vmem_shared>>)
        tpu.yield
      }) : () -> ()
      %mul3A_183 = arith.constant 2 : i32
      %mul3A_184 = arith.muli %scan3A_169, %mul3A_183 : i32
      %add3A_185 = arith.constant 1 : i32
      %add3A_186 = arith.addi %mul3A_184, %add3A_185 : i32
      %dma_wait3A_187 = arith.constant 0 : i32
      %dma_wait3A_188 = tpu.memref_slice %arg7[%add3A_186, %dma_wait3A_187] : memref<158x128xi32, #tpu.memory_space<vmem>> -> memref<1x128xi32, #tpu.memory_space<vmem>>
      %dma_wait3A_189 = tpu.memref_squeeze %dma_wait3A_188 : memref<1x128xi32, #tpu.memory_space<vmem>> -> memref<128xi32, #tpu.memory_space<vmem>>
      %dma_wait3A_190 = arith.constant 0 : i32
      %dma_wait3A_191 = arith.constant 0 : i32
      %dma_wait3A_192 = tpu.memref_slice %arg2[%dma_wait3A_190, %dma_wait3A_191] : memref<20480x64xbf16, #tpu.memory_space<hbm>> -> memref<20480x64xbf16, #tpu.memory_space<hbm>>
      tpu.wait_indirect_dma semaphore(%arg13 : memref<!tpu.dma_semaphore, #tpu.memory_space<semaphore_mem>>) src(%dma_wait3A_192 : memref<20480x64xbf16, #tpu.memory_space<hbm>>) dst(%arg10 : memref<128x64xbf16, #tpu.memory_space<vmem>>)
      %add3A_193 = arith.constant 1 : i32
      %add3A_194 = arith.addi %add3A_186, %add3A_193 : i32
      %lt3A_195 = arith.constant 158 : i32
      %lt3A_196 = arith.cmpi slt, %add3A_194, %lt3A_195 : i32
      %convert_element_type3A_197 = arith.extui %lt3A_196 : i1 to i32
      %cond3A_198 = arith.constant 0 : i32
      %cond3A_199 = arith.cmpi ne, %convert_element_type3A_197, %cond3A_198 : i32
      scf.if %cond3A_199 {
        %add3A_200 = arith.constant 1 : i32
        %add3A_201 = arith.addi %add3A_186, %add3A_200 : i32
        %dma_start3A_202 = arith.constant 0 : i32
        %dma_start3A_203 = tpu.memref_slice %arg7[%add3A_201, %dma_start3A_202] : memref<158x128xi32, #tpu.memory_space<vmem>> -> memref<1x128xi32, #tpu.memory_space<vmem>>
        %dma_start3A_204 = tpu.memref_squeeze %dma_start3A_203 : memref<1x128xi32, #tpu.memory_space<vmem>> -> memref<128xi32, #tpu.memory_space<vmem>>
        %dma_start3A_205 = arith.constant 0 : i32
        %dma_start3A_206 = arith.constant 0 : i32
        %dma_start3A_207 = tpu.memref_slice %arg2[%dma_start3A_205, %dma_start3A_206] : memref<20480x64xbf16, #tpu.memory_space<hbm>> -> memref<20480x64xbf16, #tpu.memory_space<hbm>>
        tpu.enqueue_indirect_dma source(%dma_start3A_207 : memref<20480x64xbf16, #tpu.memory_space<hbm>>) target(%arg9 : memref<128x64xbf16, #tpu.memory_space<vmem>>) offsets(%dma_start3A_204 : memref<128xi32, #tpu.memory_space<vmem>>) semaphore(%arg12 : memref<!tpu.dma_semaphore, #tpu.memory_space<semaphore_mem>>)
      } else {
      }
      "tpu.region"() ({
        %run_scoped3A = tpu.sem_alloc : memref<!tpu.dma_semaphore, #tpu.memory_space<semaphore_mem>>
        %dma_start3A_200 = arith.constant 0 : i32
        %dma_start3A_201 = tpu.memref_slice %arg8[%add3A_186, %dma_start3A_200] : memref<158x128xi32, #tpu.memory_space<vmem>> -> memref<1x128xi32, #tpu.memory_space<vmem>>
        %dma_start3A_202 = tpu.memref_squeeze %dma_start3A_201 : memref<1x128xi32, #tpu.memory_space<vmem>> -> memref<128xi32, #tpu.memory_space<vmem>>
        %dma_start3A_203 = arith.constant 0 : i32
        %dma_start3A_204 = arith.constant 0 : i32
        %dma_start3A_205 = tpu.memref_slice %arg11[%dma_start3A_203, %dma_start3A_204] : memref<20480x64xbf16, #tpu.memory_space<vmem_shared>> -> memref<20480x64xbf16, #tpu.memory_space<vmem_shared>>
        tpu.enqueue_indirect_dma source(%arg10 : memref<128x64xbf16, #tpu.memory_space<vmem>>) target(%dma_start3A_205 : memref<20480x64xbf16, #tpu.memory_space<vmem_shared>>) offsets(%dma_start3A_202 : memref<128xi32, #tpu.memory_space<vmem>>) semaphore(%run_scoped3A : memref<!tpu.dma_semaphore, #tpu.memory_space<semaphore_mem>>) {add = true}
        %dma_wait3A_206 = arith.constant 0 : i32
        %dma_wait3A_207 = tpu.memref_slice %arg8[%add3A_186, %dma_wait3A_206] : memref<158x128xi32, #tpu.memory_space<vmem>> -> memref<1x128xi32, #tpu.memory_space<vmem>>
        %dma_wait3A_208 = tpu.memref_squeeze %dma_wait3A_207 : memref<1x128xi32, #tpu.memory_space<vmem>> -> memref<128xi32, #tpu.memory_space<vmem>>
        %dma_wait3A_209 = arith.constant 0 : i32
        %dma_wait3A_210 = arith.constant 0 : i32
        %dma_wait3A_211 = tpu.memref_slice %arg11[%dma_wait3A_209, %dma_wait3A_210] : memref<20480x64xbf16, #tpu.memory_space<vmem_shared>> -> memref<20480x64xbf16, #tpu.memory_space<vmem_shared>>
        tpu.wait_indirect_dma semaphore(%run_scoped3A : memref<!tpu.dma_semaphore, #tpu.memory_space<semaphore_mem>>) src(%arg10 : memref<128x64xbf16, #tpu.memory_space<vmem>>) dst(%dma_wait3A_211 : memref<20480x64xbf16, #tpu.memory_space<vmem_shared>>)
        tpu.yield
      }) : () -> ()
      "tpu.region"() ({
        %run_scoped3A = tpu.sem_alloc : memref<!tpu.dma_semaphore, #tpu.memory_space<semaphore_mem>>
        %dma_start3A_200 = arith.constant 0 : i32
        %dma_start3A_201 = tpu.memref_slice %arg8[%add3A_186, %dma_start3A_200] : memref<158x128xi32, #tpu.memory_space<vmem>> -> memref<1x128xi32, #tpu.memory_space<vmem>>
        %dma_start3A_202 = tpu.memref_squeeze %dma_start3A_201 : memref<1x128xi32, #tpu.memory_space<vmem>> -> memref<128xi32, #tpu.memory_space<vmem>>
        %dma_start3A_203 = arith.constant 0 : i32
        %dma_start3A_204 = tpu.memref_slice %arg15[%dma_start3A_203] : memref<20480xf32, #tpu.memory_space<vmem_shared>> -> memref<20480xf32, #tpu.memory_space<vmem_shared>>
        tpu.enqueue_indirect_dma source(%arg14 : memref<128xf32, #tpu.memory_space<vmem>>) target(%dma_start3A_204 : memref<20480xf32, #tpu.memory_space<vmem_shared>>) offsets(%dma_start3A_202 : memref<128xi32, #tpu.memory_space<vmem>>) semaphore(%run_scoped3A : memref<!tpu.dma_semaphore, #tpu.memory_space<semaphore_mem>>) {add = true}
        %dma_wait3A_205 = arith.constant 0 : i32
        %dma_wait3A_206 = tpu.memref_slice %arg8[%add3A_186, %dma_wait3A_205] : memref<158x128xi32, #tpu.memory_space<vmem>> -> memref<1x128xi32, #tpu.memory_space<vmem>>
        %dma_wait3A_207 = tpu.memref_squeeze %dma_wait3A_206 : memref<1x128xi32, #tpu.memory_space<vmem>> -> memref<128xi32, #tpu.memory_space<vmem>>
        %dma_wait3A_208 = arith.constant 0 : i32
        %dma_wait3A_209 = tpu.memref_slice %arg15[%dma_wait3A_208] : memref<20480xf32, #tpu.memory_space<vmem_shared>> -> memref<20480xf32, #tpu.memory_space<vmem_shared>>
        tpu.wait_indirect_dma semaphore(%run_scoped3A : memref<!tpu.dma_semaphore, #tpu.memory_space<semaphore_mem>>) src(%arg14 : memref<128xf32, #tpu.memory_space<vmem>>) dst(%dma_wait3A_209 : memref<20480xf32, #tpu.memory_space<vmem_shared>>)
        tpu.yield
      }) : () -> ()
    }
    %scan3A_165 = arith.constant 79 : i32
    %barrier3A_166 = arith.constant 0 : index
    tpu.barrier barrier_id(%barrier3A_166)
    %mul3A_167 = arith.constant 1280 : i32
    %mul3A_168 = arith.muli %arg1, %mul3A_167 : i32
    "tpu.region"() ({
      %run_scoped3A = tpu.sem_alloc : memref<!tpu.dma_semaphore, #tpu.memory_space<semaphore_mem>>
      %dma_start3A_169 = arith.constant 0 : i32
      %dma_start3A_170 = tpu.memref_slice %arg5[%arg0, %mul3A_168, %dma_start3A_169] : memref<2x20480x64xbf16, #tpu.memory_space<hbm>> -> memref<1x1280x64xbf16, #tpu.memory_space<hbm>>
      %dma_start3A_171 = tpu.memref_squeeze %dma_start3A_170 : memref<1x1280x64xbf16, #tpu.memory_space<hbm>> -> memref<1280x64xbf16, #tpu.memory_space<hbm>>
      %dma_start3A_172 = arith.constant 0 : i32
      %dma_start3A_173 = tpu.memref_slice %arg11[%mul3A_168, %dma_start3A_172] : memref<20480x64xbf16, #tpu.memory_space<vmem_shared>> -> memref<1280x64xbf16, #tpu.memory_space<vmem_shared>>
      tpu.enqueue_dma source(%dma_start3A_173 : memref<1280x64xbf16, #tpu.memory_space<vmem_shared>>) target(%dma_start3A_171 : memref<1280x64xbf16, #tpu.memory_space<hbm>>) target_semaphore(%run_scoped3A : memref<!tpu.dma_semaphore, #tpu.memory_space<semaphore_mem>>)
      %dma_wait3A = arith.constant 0 : i32
      %dma_wait3A_174 = tpu.memref_slice %arg5[%arg0, %mul3A_168, %dma_wait3A] : memref<2x20480x64xbf16, #tpu.memory_space<hbm>> -> memref<1x1280x64xbf16, #tpu.memory_space<hbm>>
      %dma_wait3A_175 = tpu.memref_squeeze %dma_wait3A_174 : memref<1x1280x64xbf16, #tpu.memory_space<hbm>> -> memref<1280x64xbf16, #tpu.memory_space<hbm>>
      %dma_wait3A_176 = arith.constant 0 : i32
      %dma_wait3A_177 = tpu.memref_slice %arg11[%mul3A_168, %dma_wait3A_176] : memref<20480x64xbf16, #tpu.memory_space<vmem_shared>> -> memref<1280x64xbf16, #tpu.memory_space<vmem_shared>>
      tpu.wait_dma2 semaphore(%run_scoped3A : memref<!tpu.dma_semaphore, #tpu.memory_space<semaphore_mem>>) src(%dma_wait3A_177 : memref<1280x64xbf16, #tpu.memory_space<vmem_shared>>) dst(%dma_wait3A_175 : memref<1280x64xbf16, #tpu.memory_space<hbm>>)
      tpu.yield
    }) : () -> ()
    "tpu.region"() ({
      %run_scoped3A = tpu.sem_alloc : memref<!tpu.dma_semaphore, #tpu.memory_space<semaphore_mem>>
      %dma_start3A_169 = tpu.memref_slice %arg6[%arg0, %mul3A_168] : memref<2x20480xf32, #tpu.memory_space<hbm>> -> memref<1x1280xf32, #tpu.memory_space<hbm>>
      %dma_start3A_170 = tpu.memref_squeeze %dma_start3A_169 : memref<1x1280xf32, #tpu.memory_space<hbm>> -> memref<1280xf32, #tpu.memory_space<hbm>>
      %dma_start3A_171 = tpu.memref_slice %arg15[%mul3A_168] : memref<20480xf32, #tpu.memory_space<vmem_shared>> -> memref<1280xf32, #tpu.memory_space<vmem_shared>>
      tpu.enqueue_dma source(%dma_start3A_171 : memref<1280xf32, #tpu.memory_space<vmem_shared>>) target(%dma_start3A_170 : memref<1280xf32, #tpu.memory_space<hbm>>) target_semaphore(%run_scoped3A : memref<!tpu.dma_semaphore, #tpu.memory_space<semaphore_mem>>)
      %dma_wait3A = tpu.memref_slice %arg6[%arg0, %mul3A_168] : memref<2x20480xf32, #tpu.memory_space<hbm>> -> memref<1x1280xf32, #tpu.memory_space<hbm>>
      %dma_wait3A_172 = tpu.memref_squeeze %dma_wait3A : memref<1x1280xf32, #tpu.memory_space<hbm>> -> memref<1280xf32, #tpu.memory_space<hbm>>
      %dma_wait3A_173 = tpu.memref_slice %arg15[%mul3A_168] : memref<20480xf32, #tpu.memory_space<vmem_shared>> -> memref<1280xf32, #tpu.memory_space<vmem_shared>>
      tpu.wait_dma2 semaphore(%run_scoped3A : memref<!tpu.dma_semaphore, #tpu.memory_space<semaphore_mem>>) src(%dma_wait3A_173 : memref<1280xf32, #tpu.memory_space<vmem_shared>>) dst(%dma_wait3A_172 : memref<1280xf32, #tpu.memory_space<hbm>>)
      tpu.yield
    }) : () -> ()
    return
  }
}

#map = affine_map<(d0, d1) -> (0, 0)>
#map1 = affine_map<(d0, d1) -> (0, 0, 0)>
module attributes {stable_mosaic.version = 14 : i64} {
  func.func @body(%arg0: i32, %arg1: i32, %arg2: memref<20480x64xbf16, #tpu.memory_space<hbm>>, %arg3: memref<32x158x128xi32, #tpu.memory_space<hbm>>, %arg4: memref<32x158x128xi32, #tpu.memory_space<hbm>>, %arg5: memref<2x20480x64xbf16, #tpu.memory_space<hbm>>, %arg6: memref<158x128xi32, #tpu.memory_space<vmem>>, %arg7: memref<158x128xi32, #tpu.memory_space<vmem>>, %arg8: memref<128x64xbf16, #tpu.memory_space<vmem>>, %arg9: memref<128x64xbf16, #tpu.memory_space<vmem>>, %arg10: memref<20480x64xbf16, #tpu.memory_space<vmem_shared>>, %arg11: memref<!tpu.dma_semaphore, #tpu.memory_space<semaphore_mem>>, %arg12: memref<!tpu.dma_semaphore, #tpu.memory_space<semaphore_mem>>) attributes {dimension_semantics = [#tpu.dimension_semantics<core_parallel>, #tpu.dimension_semantics<subcore_parallel>], iteration_bounds = array<i64: 2, 16>, scalar_prefetch = 0 : i64, scratch_operands = 7 : i64, tpu.core_type = #tpu.core_type<sc_vector_subcore>, window_params = [{transform_indices = #map}, {transform_indices = #map1}, {transform_indices = #map1}, {transform_indices = #map1}]} {
    %mul3A = arith.constant 2 : i32
    %mul3A_0 = arith.muli %arg1, %mul3A : i32
    %add3A = arith.addi %mul3A_0, %arg0 : i32
    "tpu.region"() ({
      %run_scoped3A = tpu.sem_alloc : memref<!tpu.dma_semaphore, #tpu.memory_space<semaphore_mem>>
      %dma_start3A_62 = arith.constant 0 : i32
      %dma_start3A_63 = arith.constant 0 : i32
      %dma_start3A_64 = tpu.memref_slice %arg3[%add3A, %dma_start3A_62, %dma_start3A_63] : memref<32x158x128xi32, #tpu.memory_space<hbm>> -> memref<1x158x128xi32, #tpu.memory_space<hbm>>
      %dma_start3A_65 = tpu.memref_squeeze %dma_start3A_64 : memref<1x158x128xi32, #tpu.memory_space<hbm>> -> memref<158x128xi32, #tpu.memory_space<hbm>>
      %dma_start3A_66 = arith.constant 0 : i32
      %dma_start3A_67 = arith.constant 0 : i32
      %dma_start3A_68 = tpu.memref_slice %arg3[%add3A, %dma_start3A_66, %dma_start3A_67] : memref<32x158x128xi32, #tpu.memory_space<hbm>> -> memref<1x158x128xi32, #tpu.memory_space<hbm>>
      %dma_start3A_69 = tpu.memref_squeeze %dma_start3A_68 : memref<1x158x128xi32, #tpu.memory_space<hbm>> -> memref<158x128xi32, #tpu.memory_space<hbm>>
      tpu.enqueue_dma source(%dma_start3A_69 : memref<158x128xi32, #tpu.memory_space<hbm>>) target(%arg6 : memref<158x128xi32, #tpu.memory_space<vmem>>) target_semaphore(%run_scoped3A : memref<!tpu.dma_semaphore, #tpu.memory_space<semaphore_mem>>)
      %dma_wait3A = arith.constant 0 : i32
      %dma_wait3A_70 = arith.constant 0 : i32
      %dma_wait3A_71 = tpu.memref_slice %arg3[%add3A, %dma_wait3A, %dma_wait3A_70] : memref<32x158x128xi32, #tpu.memory_space<hbm>> -> memref<1x158x128xi32, #tpu.memory_space<hbm>>
      %dma_wait3A_72 = tpu.memref_squeeze %dma_wait3A_71 : memref<1x158x128xi32, #tpu.memory_space<hbm>> -> memref<158x128xi32, #tpu.memory_space<hbm>>
      %dma_wait3A_73 = arith.constant 0 : i32
      %dma_wait3A_74 = arith.constant 0 : i32
      %dma_wait3A_75 = tpu.memref_slice %arg3[%add3A, %dma_wait3A_73, %dma_wait3A_74] : memref<32x158x128xi32, #tpu.memory_space<hbm>> -> memref<1x158x128xi32, #tpu.memory_space<hbm>>
      %dma_wait3A_76 = tpu.memref_squeeze %dma_wait3A_75 : memref<1x158x128xi32, #tpu.memory_space<hbm>> -> memref<158x128xi32, #tpu.memory_space<hbm>>
      tpu.wait_dma2 semaphore(%run_scoped3A : memref<!tpu.dma_semaphore, #tpu.memory_space<semaphore_mem>>) src(%dma_wait3A_76 : memref<158x128xi32, #tpu.memory_space<hbm>>) dst(%arg6 : memref<158x128xi32, #tpu.memory_space<vmem>>)
      tpu.yield
    }) : () -> ()
    "tpu.region"() ({
      %run_scoped3A = tpu.sem_alloc : memref<!tpu.dma_semaphore, #tpu.memory_space<semaphore_mem>>
      %dma_start3A_62 = arith.constant 0 : i32
      %dma_start3A_63 = arith.constant 0 : i32
      %dma_start3A_64 = tpu.memref_slice %arg4[%add3A, %dma_start3A_62, %dma_start3A_63] : memref<32x158x128xi32, #tpu.memory_space<hbm>> -> memref<1x158x128xi32, #tpu.memory_space<hbm>>
      %dma_start3A_65 = tpu.memref_squeeze %dma_start3A_64 : memref<1x158x128xi32, #tpu.memory_space<hbm>> -> memref<158x128xi32, #tpu.memory_space<hbm>>
      %dma_start3A_66 = arith.constant 0 : i32
      %dma_start3A_67 = arith.constant 0 : i32
      %dma_start3A_68 = tpu.memref_slice %arg4[%add3A, %dma_start3A_66, %dma_start3A_67] : memref<32x158x128xi32, #tpu.memory_space<hbm>> -> memref<1x158x128xi32, #tpu.memory_space<hbm>>
      %dma_start3A_69 = tpu.memref_squeeze %dma_start3A_68 : memref<1x158x128xi32, #tpu.memory_space<hbm>> -> memref<158x128xi32, #tpu.memory_space<hbm>>
      tpu.enqueue_dma source(%dma_start3A_69 : memref<158x128xi32, #tpu.memory_space<hbm>>) target(%arg7 : memref<158x128xi32, #tpu.memory_space<vmem>>) target_semaphore(%run_scoped3A : memref<!tpu.dma_semaphore, #tpu.memory_space<semaphore_mem>>)
      %dma_wait3A = arith.constant 0 : i32
      %dma_wait3A_70 = arith.constant 0 : i32
      %dma_wait3A_71 = tpu.memref_slice %arg4[%add3A, %dma_wait3A, %dma_wait3A_70] : memref<32x158x128xi32, #tpu.memory_space<hbm>> -> memref<1x158x128xi32, #tpu.memory_space<hbm>>
      %dma_wait3A_72 = tpu.memref_squeeze %dma_wait3A_71 : memref<1x158x128xi32, #tpu.memory_space<hbm>> -> memref<158x128xi32, #tpu.memory_space<hbm>>
      %dma_wait3A_73 = arith.constant 0 : i32
      %dma_wait3A_74 = arith.constant 0 : i32
      %dma_wait3A_75 = tpu.memref_slice %arg4[%add3A, %dma_wait3A_73, %dma_wait3A_74] : memref<32x158x128xi32, #tpu.memory_space<hbm>> -> memref<1x158x128xi32, #tpu.memory_space<hbm>>
      %dma_wait3A_76 = tpu.memref_squeeze %dma_wait3A_75 : memref<1x158x128xi32, #tpu.memory_space<hbm>> -> memref<158x128xi32, #tpu.memory_space<hbm>>
      tpu.wait_dma2 semaphore(%run_scoped3A : memref<!tpu.dma_semaphore, #tpu.memory_space<semaphore_mem>>) src(%dma_wait3A_76 : memref<158x128xi32, #tpu.memory_space<hbm>>) dst(%arg7 : memref<158x128xi32, #tpu.memory_space<vmem>>)
      tpu.yield
    }) : () -> ()
    %broadcast_in_dim3A = arith.constant 0.000000e+00 : bf16
    %broadcast_in_dim3A_1 = vector.broadcast %broadcast_in_dim3A : bf16 to vector<32xbf16>
    %scan3A = arith.constant 0 : i32
    %scan3A_2 = arith.constant 0 : i32
    %scan3A_3 = arith.constant 128 : i32
    %scan3A_4 = arith.addi %scan3A_2, %scan3A_3 : i32
    %scan3A_5 = arith.constant 1 : i32
    scf.for %scan3A_62 = %scan3A_2 to %scan3A_4 step %scan3A_5  : i32 {
      %swap3A = arith.index_cast %scan3A_62 : i32 to index
      %swap3A_63 = arith.constant 0 : index
      %swap3A_64 = tpu.vector_load %arg8[%swap3A, %swap3A_63] {strides = array<i32>} : memref<128x64xbf16, #tpu.memory_space<vmem>>, vector<1x32xbf16>,
      %swap3A_65 = vector.shape_cast %swap3A_64 : vector<1x32xbf16> to vector<32xbf16>
      %swap3A_66 = vector.shape_cast %broadcast_in_dim3A_1 : vector<32xbf16> to vector<1x32xbf16>
      tpu.vector_store %arg8[%swap3A, %swap3A_63], %swap3A_66 {strides = array<i32>} : memref<128x64xbf16, #tpu.memory_space<vmem>>, vector<1x32xbf16>,
      %swap3A_67 = arith.index_cast %scan3A_62 : i32 to index
      %swap3A_68 = arith.constant 32 : index
      %swap3A_69 = tpu.vector_load %arg8[%swap3A_67, %swap3A_68] {strides = array<i32>} : memref<128x64xbf16, #tpu.memory_space<vmem>>, vector<1x32xbf16>,
      %swap3A_70 = vector.shape_cast %swap3A_69 : vector<1x32xbf16> to vector<32xbf16>
      %swap3A_71 = vector.shape_cast %broadcast_in_dim3A_1 : vector<32xbf16> to vector<1x32xbf16>
      tpu.vector_store %arg8[%swap3A_67, %swap3A_68], %swap3A_71 {strides = array<i32>} : memref<128x64xbf16, #tpu.memory_space<vmem>>, vector<1x32xbf16>,
    }
    %scan3A_6 = arith.constant 128 : i32
    %mul3A_7 = arith.constant 1280 : i32
    %mul3A_8 = arith.muli %arg1, %mul3A_7 : i32
    %add3A_9 = arith.constant 0 : i32
    %add3A_10 = arith.addi %mul3A_8, %add3A_9 : i32
    "tpu.region"() ({
      %run_scoped3A = tpu.sem_alloc : memref<!tpu.dma_semaphore, #tpu.memory_space<semaphore_mem>>
      %dma_start3A_62 = arith.constant 0 : i32
      %dma_start3A_63 = tpu.memref_slice %arg10[%add3A_10, %dma_start3A_62] : memref<20480x64xbf16, #tpu.memory_space<vmem_shared>> -> memref<128x64xbf16, #tpu.memory_space<vmem_shared>>
      %dma_start3A_64 = arith.constant 0 : i32
      %dma_start3A_65 = tpu.memref_slice %arg10[%add3A_10, %dma_start3A_64] : memref<20480x64xbf16, #tpu.memory_space<vmem_shared>> -> memref<128x64xbf16, #tpu.memory_space<vmem_shared>>
      tpu.enqueue_dma source(%arg8 : memref<128x64xbf16, #tpu.memory_space<vmem>>) target(%dma_start3A_65 : memref<128x64xbf16, #tpu.memory_space<vmem_shared>>) target_semaphore(%run_scoped3A : memref<!tpu.dma_semaphore, #tpu.memory_space<semaphore_mem>>)
      %dma_wait3A = arith.constant 0 : i32
      %dma_wait3A_66 = tpu.memref_slice %arg10[%add3A_10, %dma_wait3A] : memref<20480x64xbf16, #tpu.memory_space<vmem_shared>> -> memref<128x64xbf16, #tpu.memory_space<vmem_shared>>
      %dma_wait3A_67 = arith.constant 0 : i32
      %dma_wait3A_68 = tpu.memref_slice %arg10[%add3A_10, %dma_wait3A_67] : memref<20480x64xbf16, #tpu.memory_space<vmem_shared>> -> memref<128x64xbf16, #tpu.memory_space<vmem_shared>>
      tpu.wait_dma2 semaphore(%run_scoped3A : memref<!tpu.dma_semaphore, #tpu.memory_space<semaphore_mem>>) src(%arg8 : memref<128x64xbf16, #tpu.memory_space<vmem>>) dst(%dma_wait3A_68 : memref<128x64xbf16, #tpu.memory_space<vmem_shared>>)
      tpu.yield
    }) : () -> ()
    %mul3A_11 = arith.constant 1280 : i32
    %mul3A_12 = arith.muli %arg1, %mul3A_11 : i32
    %add3A_13 = arith.constant 128 : i32
    %add3A_14 = arith.addi %mul3A_12, %add3A_13 : i32
    "tpu.region"() ({
      %run_scoped3A = tpu.sem_alloc : memref<!tpu.dma_semaphore, #tpu.memory_space<semaphore_mem>>
      %dma_start3A_62 = arith.constant 0 : i32
      %dma_start3A_63 = tpu.memref_slice %arg10[%add3A_14, %dma_start3A_62] : memref<20480x64xbf16, #tpu.memory_space<vmem_shared>> -> memref<128x64xbf16, #tpu.memory_space<vmem_shared>>
      %dma_start3A_64 = arith.constant 0 : i32
      %dma_start3A_65 = tpu.memref_slice %arg10[%add3A_14, %dma_start3A_64] : memref<20480x64xbf16, #tpu.memory_space<vmem_shared>> -> memref<128x64xbf16, #tpu.memory_space<vmem_shared>>
      tpu.enqueue_dma source(%arg8 : memref<128x64xbf16, #tpu.memory_space<vmem>>) target(%dma_start3A_65 : memref<128x64xbf16, #tpu.memory_space<vmem_shared>>) target_semaphore(%run_scoped3A : memref<!tpu.dma_semaphore, #tpu.memory_space<semaphore_mem>>)
      %dma_wait3A = arith.constant 0 : i32
      %dma_wait3A_66 = tpu.memref_slice %arg10[%add3A_14, %dma_wait3A] : memref<20480x64xbf16, #tpu.memory_space<vmem_shared>> -> memref<128x64xbf16, #tpu.memory_space<vmem_shared>>
      %dma_wait3A_67 = arith.constant 0 : i32
      %dma_wait3A_68 = tpu.memref_slice %arg10[%add3A_14, %dma_wait3A_67] : memref<20480x64xbf16, #tpu.memory_space<vmem_shared>> -> memref<128x64xbf16, #tpu.memory_space<vmem_shared>>
      tpu.wait_dma2 semaphore(%run_scoped3A : memref<!tpu.dma_semaphore, #tpu.memory_space<semaphore_mem>>) src(%arg8 : memref<128x64xbf16, #tpu.memory_space<vmem>>) dst(%dma_wait3A_68 : memref<128x64xbf16, #tpu.memory_space<vmem_shared>>)
      tpu.yield
    }) : () -> ()
    %mul3A_15 = arith.constant 1280 : i32
    %mul3A_16 = arith.muli %arg1, %mul3A_15 : i32
    %add3A_17 = arith.constant 256 : i32
    %add3A_18 = arith.addi %mul3A_16, %add3A_17 : i32
    "tpu.region"() ({
      %run_scoped3A = tpu.sem_alloc : memref<!tpu.dma_semaphore, #tpu.memory_space<semaphore_mem>>
      %dma_start3A_62 = arith.constant 0 : i32
      %dma_start3A_63 = tpu.memref_slice %arg10[%add3A_18, %dma_start3A_62] : memref<20480x64xbf16, #tpu.memory_space<vmem_shared>> -> memref<128x64xbf16, #tpu.memory_space<vmem_shared>>
      %dma_start3A_64 = arith.constant 0 : i32
      %dma_start3A_65 = tpu.memref_slice %arg10[%add3A_18, %dma_start3A_64] : memref<20480x64xbf16, #tpu.memory_space<vmem_shared>> -> memref<128x64xbf16, #tpu.memory_space<vmem_shared>>
      tpu.enqueue_dma source(%arg8 : memref<128x64xbf16, #tpu.memory_space<vmem>>) target(%dma_start3A_65 : memref<128x64xbf16, #tpu.memory_space<vmem_shared>>) target_semaphore(%run_scoped3A : memref<!tpu.dma_semaphore, #tpu.memory_space<semaphore_mem>>)
      %dma_wait3A = arith.constant 0 : i32
      %dma_wait3A_66 = tpu.memref_slice %arg10[%add3A_18, %dma_wait3A] : memref<20480x64xbf16, #tpu.memory_space<vmem_shared>> -> memref<128x64xbf16, #tpu.memory_space<vmem_shared>>
      %dma_wait3A_67 = arith.constant 0 : i32
      %dma_wait3A_68 = tpu.memref_slice %arg10[%add3A_18, %dma_wait3A_67] : memref<20480x64xbf16, #tpu.memory_space<vmem_shared>> -> memref<128x64xbf16, #tpu.memory_space<vmem_shared>>
      tpu.wait_dma2 semaphore(%run_scoped3A : memref<!tpu.dma_semaphore, #tpu.memory_space<semaphore_mem>>) src(%arg8 : memref<128x64xbf16, #tpu.memory_space<vmem>>) dst(%dma_wait3A_68 : memref<128x64xbf16, #tpu.memory_space<vmem_shared>>)
      tpu.yield
    }) : () -> ()
    %mul3A_19 = arith.constant 1280 : i32
    %mul3A_20 = arith.muli %arg1, %mul3A_19 : i32
    %add3A_21 = arith.constant 384 : i32
    %add3A_22 = arith.addi %mul3A_20, %add3A_21 : i32
    "tpu.region"() ({
      %run_scoped3A = tpu.sem_alloc : memref<!tpu.dma_semaphore, #tpu.memory_space<semaphore_mem>>
      %dma_start3A_62 = arith.constant 0 : i32
      %dma_start3A_63 = tpu.memref_slice %arg10[%add3A_22, %dma_start3A_62] : memref<20480x64xbf16, #tpu.memory_space<vmem_shared>> -> memref<128x64xbf16, #tpu.memory_space<vmem_shared>>
      %dma_start3A_64 = arith.constant 0 : i32
      %dma_start3A_65 = tpu.memref_slice %arg10[%add3A_22, %dma_start3A_64] : memref<20480x64xbf16, #tpu.memory_space<vmem_shared>> -> memref<128x64xbf16, #tpu.memory_space<vmem_shared>>
      tpu.enqueue_dma source(%arg8 : memref<128x64xbf16, #tpu.memory_space<vmem>>) target(%dma_start3A_65 : memref<128x64xbf16, #tpu.memory_space<vmem_shared>>) target_semaphore(%run_scoped3A : memref<!tpu.dma_semaphore, #tpu.memory_space<semaphore_mem>>)
      %dma_wait3A = arith.constant 0 : i32
      %dma_wait3A_66 = tpu.memref_slice %arg10[%add3A_22, %dma_wait3A] : memref<20480x64xbf16, #tpu.memory_space<vmem_shared>> -> memref<128x64xbf16, #tpu.memory_space<vmem_shared>>
      %dma_wait3A_67 = arith.constant 0 : i32
      %dma_wait3A_68 = tpu.memref_slice %arg10[%add3A_22, %dma_wait3A_67] : memref<20480x64xbf16, #tpu.memory_space<vmem_shared>> -> memref<128x64xbf16, #tpu.memory_space<vmem_shared>>
      tpu.wait_dma2 semaphore(%run_scoped3A : memref<!tpu.dma_semaphore, #tpu.memory_space<semaphore_mem>>) src(%arg8 : memref<128x64xbf16, #tpu.memory_space<vmem>>) dst(%dma_wait3A_68 : memref<128x64xbf16, #tpu.memory_space<vmem_shared>>)
      tpu.yield
    }) : () -> ()
    %mul3A_23 = arith.constant 1280 : i32
    %mul3A_24 = arith.muli %arg1, %mul3A_23 : i32
    %add3A_25 = arith.constant 512 : i32
    %add3A_26 = arith.addi %mul3A_24, %add3A_25 : i32
    "tpu.region"() ({
      %run_scoped3A = tpu.sem_alloc : memref<!tpu.dma_semaphore, #tpu.memory_space<semaphore_mem>>
      %dma_start3A_62 = arith.constant 0 : i32
      %dma_start3A_63 = tpu.memref_slice %arg10[%add3A_26, %dma_start3A_62] : memref<20480x64xbf16, #tpu.memory_space<vmem_shared>> -> memref<128x64xbf16, #tpu.memory_space<vmem_shared>>
      %dma_start3A_64 = arith.constant 0 : i32
      %dma_start3A_65 = tpu.memref_slice %arg10[%add3A_26, %dma_start3A_64] : memref<20480x64xbf16, #tpu.memory_space<vmem_shared>> -> memref<128x64xbf16, #tpu.memory_space<vmem_shared>>
      tpu.enqueue_dma source(%arg8 : memref<128x64xbf16, #tpu.memory_space<vmem>>) target(%dma_start3A_65 : memref<128x64xbf16, #tpu.memory_space<vmem_shared>>) target_semaphore(%run_scoped3A : memref<!tpu.dma_semaphore, #tpu.memory_space<semaphore_mem>>)
      %dma_wait3A = arith.constant 0 : i32
      %dma_wait3A_66 = tpu.memref_slice %arg10[%add3A_26, %dma_wait3A] : memref<20480x64xbf16, #tpu.memory_space<vmem_shared>> -> memref<128x64xbf16, #tpu.memory_space<vmem_shared>>
      %dma_wait3A_67 = arith.constant 0 : i32
      %dma_wait3A_68 = tpu.memref_slice %arg10[%add3A_26, %dma_wait3A_67] : memref<20480x64xbf16, #tpu.memory_space<vmem_shared>> -> memref<128x64xbf16, #tpu.memory_space<vmem_shared>>
      tpu.wait_dma2 semaphore(%run_scoped3A : memref<!tpu.dma_semaphore, #tpu.memory_space<semaphore_mem>>) src(%arg8 : memref<128x64xbf16, #tpu.memory_space<vmem>>) dst(%dma_wait3A_68 : memref<128x64xbf16, #tpu.memory_space<vmem_shared>>)
      tpu.yield
    }) : () -> ()
    %mul3A_27 = arith.constant 1280 : i32
    %mul3A_28 = arith.muli %arg1, %mul3A_27 : i32
    %add3A_29 = arith.constant 640 : i32
    %add3A_30 = arith.addi %mul3A_28, %add3A_29 : i32
    "tpu.region"() ({
      %run_scoped3A = tpu.sem_alloc : memref<!tpu.dma_semaphore, #tpu.memory_space<semaphore_mem>>
      %dma_start3A_62 = arith.constant 0 : i32
      %dma_start3A_63 = tpu.memref_slice %arg10[%add3A_30, %dma_start3A_62] : memref<20480x64xbf16, #tpu.memory_space<vmem_shared>> -> memref<128x64xbf16, #tpu.memory_space<vmem_shared>>
      %dma_start3A_64 = arith.constant 0 : i32
      %dma_start3A_65 = tpu.memref_slice %arg10[%add3A_30, %dma_start3A_64] : memref<20480x64xbf16, #tpu.memory_space<vmem_shared>> -> memref<128x64xbf16, #tpu.memory_space<vmem_shared>>
      tpu.enqueue_dma source(%arg8 : memref<128x64xbf16, #tpu.memory_space<vmem>>) target(%dma_start3A_65 : memref<128x64xbf16, #tpu.memory_space<vmem_shared>>) target_semaphore(%run_scoped3A : memref<!tpu.dma_semaphore, #tpu.memory_space<semaphore_mem>>)
      %dma_wait3A = arith.constant 0 : i32
      %dma_wait3A_66 = tpu.memref_slice %arg10[%add3A_30, %dma_wait3A] : memref<20480x64xbf16, #tpu.memory_space<vmem_shared>> -> memref<128x64xbf16, #tpu.memory_space<vmem_shared>>
      %dma_wait3A_67 = arith.constant 0 : i32
      %dma_wait3A_68 = tpu.memref_slice %arg10[%add3A_30, %dma_wait3A_67] : memref<20480x64xbf16, #tpu.memory_space<vmem_shared>> -> memref<128x64xbf16, #tpu.memory_space<vmem_shared>>
      tpu.wait_dma2 semaphore(%run_scoped3A : memref<!tpu.dma_semaphore, #tpu.memory_space<semaphore_mem>>) src(%arg8 : memref<128x64xbf16, #tpu.memory_space<vmem>>) dst(%dma_wait3A_68 : memref<128x64xbf16, #tpu.memory_space<vmem_shared>>)
      tpu.yield
    }) : () -> ()
    %mul3A_31 = arith.constant 1280 : i32
    %mul3A_32 = arith.muli %arg1, %mul3A_31 : i32
    %add3A_33 = arith.constant 768 : i32
    %add3A_34 = arith.addi %mul3A_32, %add3A_33 : i32
    "tpu.region"() ({
      %run_scoped3A = tpu.sem_alloc : memref<!tpu.dma_semaphore, #tpu.memory_space<semaphore_mem>>
      %dma_start3A_62 = arith.constant 0 : i32
      %dma_start3A_63 = tpu.memref_slice %arg10[%add3A_34, %dma_start3A_62] : memref<20480x64xbf16, #tpu.memory_space<vmem_shared>> -> memref<128x64xbf16, #tpu.memory_space<vmem_shared>>
      %dma_start3A_64 = arith.constant 0 : i32
      %dma_start3A_65 = tpu.memref_slice %arg10[%add3A_34, %dma_start3A_64] : memref<20480x64xbf16, #tpu.memory_space<vmem_shared>> -> memref<128x64xbf16, #tpu.memory_space<vmem_shared>>
      tpu.enqueue_dma source(%arg8 : memref<128x64xbf16, #tpu.memory_space<vmem>>) target(%dma_start3A_65 : memref<128x64xbf16, #tpu.memory_space<vmem_shared>>) target_semaphore(%run_scoped3A : memref<!tpu.dma_semaphore, #tpu.memory_space<semaphore_mem>>)
      %dma_wait3A = arith.constant 0 : i32
      %dma_wait3A_66 = tpu.memref_slice %arg10[%add3A_34, %dma_wait3A] : memref<20480x64xbf16, #tpu.memory_space<vmem_shared>> -> memref<128x64xbf16, #tpu.memory_space<vmem_shared>>
      %dma_wait3A_67 = arith.constant 0 : i32
      %dma_wait3A_68 = tpu.memref_slice %arg10[%add3A_34, %dma_wait3A_67] : memref<20480x64xbf16, #tpu.memory_space<vmem_shared>> -> memref<128x64xbf16, #tpu.memory_space<vmem_shared>>
      tpu.wait_dma2 semaphore(%run_scoped3A : memref<!tpu.dma_semaphore, #tpu.memory_space<semaphore_mem>>) src(%arg8 : memref<128x64xbf16, #tpu.memory_space<vmem>>) dst(%dma_wait3A_68 : memref<128x64xbf16, #tpu.memory_space<vmem_shared>>)
      tpu.yield
    }) : () -> ()
    %mul3A_35 = arith.constant 1280 : i32
    %mul3A_36 = arith.muli %arg1, %mul3A_35 : i32
    %add3A_37 = arith.constant 896 : i32
    %add3A_38 = arith.addi %mul3A_36, %add3A_37 : i32
    "tpu.region"() ({
      %run_scoped3A = tpu.sem_alloc : memref<!tpu.dma_semaphore, #tpu.memory_space<semaphore_mem>>
      %dma_start3A_62 = arith.constant 0 : i32
      %dma_start3A_63 = tpu.memref_slice %arg10[%add3A_38, %dma_start3A_62] : memref<20480x64xbf16, #tpu.memory_space<vmem_shared>> -> memref<128x64xbf16, #tpu.memory_space<vmem_shared>>
      %dma_start3A_64 = arith.constant 0 : i32
      %dma_start3A_65 = tpu.memref_slice %arg10[%add3A_38, %dma_start3A_64] : memref<20480x64xbf16, #tpu.memory_space<vmem_shared>> -> memref<128x64xbf16, #tpu.memory_space<vmem_shared>>
      tpu.enqueue_dma source(%arg8 : memref<128x64xbf16, #tpu.memory_space<vmem>>) target(%dma_start3A_65 : memref<128x64xbf16, #tpu.memory_space<vmem_shared>>) target_semaphore(%run_scoped3A : memref<!tpu.dma_semaphore, #tpu.memory_space<semaphore_mem>>)
      %dma_wait3A = arith.constant 0 : i32
      %dma_wait3A_66 = tpu.memref_slice %arg10[%add3A_38, %dma_wait3A] : memref<20480x64xbf16, #tpu.memory_space<vmem_shared>> -> memref<128x64xbf16, #tpu.memory_space<vmem_shared>>
      %dma_wait3A_67 = arith.constant 0 : i32
      %dma_wait3A_68 = tpu.memref_slice %arg10[%add3A_38, %dma_wait3A_67] : memref<20480x64xbf16, #tpu.memory_space<vmem_shared>> -> memref<128x64xbf16, #tpu.memory_space<vmem_shared>>
      tpu.wait_dma2 semaphore(%run_scoped3A : memref<!tpu.dma_semaphore, #tpu.memory_space<semaphore_mem>>) src(%arg8 : memref<128x64xbf16, #tpu.memory_space<vmem>>) dst(%dma_wait3A_68 : memref<128x64xbf16, #tpu.memory_space<vmem_shared>>)
      tpu.yield
    }) : () -> ()
    %mul3A_39 = arith.constant 1280 : i32
    %mul3A_40 = arith.muli %arg1, %mul3A_39 : i32
    %add3A_41 = arith.constant 1024 : i32
    %add3A_42 = arith.addi %mul3A_40, %add3A_41 : i32
    "tpu.region"() ({
      %run_scoped3A = tpu.sem_alloc : memref<!tpu.dma_semaphore, #tpu.memory_space<semaphore_mem>>
      %dma_start3A_62 = arith.constant 0 : i32
      %dma_start3A_63 = tpu.memref_slice %arg10[%add3A_42, %dma_start3A_62] : memref<20480x64xbf16, #tpu.memory_space<vmem_shared>> -> memref<128x64xbf16, #tpu.memory_space<vmem_shared>>
      %dma_start3A_64 = arith.constant 0 : i32
      %dma_start3A_65 = tpu.memref_slice %arg10[%add3A_42, %dma_start3A_64] : memref<20480x64xbf16, #tpu.memory_space<vmem_shared>> -> memref<128x64xbf16, #tpu.memory_space<vmem_shared>>
      tpu.enqueue_dma source(%arg8 : memref<128x64xbf16, #tpu.memory_space<vmem>>) target(%dma_start3A_65 : memref<128x64xbf16, #tpu.memory_space<vmem_shared>>) target_semaphore(%run_scoped3A : memref<!tpu.dma_semaphore, #tpu.memory_space<semaphore_mem>>)
      %dma_wait3A = arith.constant 0 : i32
      %dma_wait3A_66 = tpu.memref_slice %arg10[%add3A_42, %dma_wait3A] : memref<20480x64xbf16, #tpu.memory_space<vmem_shared>> -> memref<128x64xbf16, #tpu.memory_space<vmem_shared>>
      %dma_wait3A_67 = arith.constant 0 : i32
      %dma_wait3A_68 = tpu.memref_slice %arg10[%add3A_42, %dma_wait3A_67] : memref<20480x64xbf16, #tpu.memory_space<vmem_shared>> -> memref<128x64xbf16, #tpu.memory_space<vmem_shared>>
      tpu.wait_dma2 semaphore(%run_scoped3A : memref<!tpu.dma_semaphore, #tpu.memory_space<semaphore_mem>>) src(%arg8 : memref<128x64xbf16, #tpu.memory_space<vmem>>) dst(%dma_wait3A_68 : memref<128x64xbf16, #tpu.memory_space<vmem_shared>>)
      tpu.yield
    }) : () -> ()
    %mul3A_43 = arith.constant 1280 : i32
    %mul3A_44 = arith.muli %arg1, %mul3A_43 : i32
    %add3A_45 = arith.constant 1152 : i32
    %add3A_46 = arith.addi %mul3A_44, %add3A_45 : i32
    "tpu.region"() ({
      %run_scoped3A = tpu.sem_alloc : memref<!tpu.dma_semaphore, #tpu.memory_space<semaphore_mem>>
      %dma_start3A_62 = arith.constant 0 : i32
      %dma_start3A_63 = tpu.memref_slice %arg10[%add3A_46, %dma_start3A_62] : memref<20480x64xbf16, #tpu.memory_space<vmem_shared>> -> memref<128x64xbf16, #tpu.memory_space<vmem_shared>>
      %dma_start3A_64 = arith.constant 0 : i32
      %dma_start3A_65 = tpu.memref_slice %arg10[%add3A_46, %dma_start3A_64] : memref<20480x64xbf16, #tpu.memory_space<vmem_shared>> -> memref<128x64xbf16, #tpu.memory_space<vmem_shared>>
      tpu.enqueue_dma source(%arg8 : memref<128x64xbf16, #tpu.memory_space<vmem>>) target(%dma_start3A_65 : memref<128x64xbf16, #tpu.memory_space<vmem_shared>>) target_semaphore(%run_scoped3A : memref<!tpu.dma_semaphore, #tpu.memory_space<semaphore_mem>>)
      %dma_wait3A = arith.constant 0 : i32
      %dma_wait3A_66 = tpu.memref_slice %arg10[%add3A_46, %dma_wait3A] : memref<20480x64xbf16, #tpu.memory_space<vmem_shared>> -> memref<128x64xbf16, #tpu.memory_space<vmem_shared>>
      %dma_wait3A_67 = arith.constant 0 : i32
      %dma_wait3A_68 = tpu.memref_slice %arg10[%add3A_46, %dma_wait3A_67] : memref<20480x64xbf16, #tpu.memory_space<vmem_shared>> -> memref<128x64xbf16, #tpu.memory_space<vmem_shared>>
      tpu.wait_dma2 semaphore(%run_scoped3A : memref<!tpu.dma_semaphore, #tpu.memory_space<semaphore_mem>>) src(%arg8 : memref<128x64xbf16, #tpu.memory_space<vmem>>) dst(%dma_wait3A_68 : memref<128x64xbf16, #tpu.memory_space<vmem_shared>>)
      tpu.yield
    }) : () -> ()
    %barrier3A = arith.constant 0 : index
    tpu.barrier barrier_id(%barrier3A)
    %dma_start3A = arith.constant 0 : i32
    %dma_start3A_47 = arith.constant 0 : i32
    %dma_start3A_48 = tpu.memref_slice %arg6[%dma_start3A, %dma_start3A_47] : memref<158x128xi32, #tpu.memory_space<vmem>> -> memref<1x128xi32, #tpu.memory_space<vmem>>
    %dma_start3A_49 = tpu.memref_squeeze %dma_start3A_48 : memref<1x128xi32, #tpu.memory_space<vmem>> -> memref<128xi32, #tpu.memory_space<vmem>>
    %dma_start3A_50 = arith.constant 0 : i32
    %dma_start3A_51 = arith.constant 0 : i32
    %dma_start3A_52 = tpu.memref_slice %arg2[%dma_start3A_50, %dma_start3A_51] : memref<20480x64xbf16, #tpu.memory_space<hbm>> -> memref<20480x64xbf16, #tpu.memory_space<hbm>>
    tpu.enqueue_indirect_dma source(%dma_start3A_52 : memref<20480x64xbf16, #tpu.memory_space<hbm>>) target(%arg8 : memref<128x64xbf16, #tpu.memory_space<vmem>>) offsets(%dma_start3A_49 : memref<128xi32, #tpu.memory_space<vmem>>) semaphore(%arg11 : memref<!tpu.dma_semaphore, #tpu.memory_space<semaphore_mem>>)
    %scan3A_53 = arith.constant 0 : i32
    %scan3A_54 = arith.constant 0 : i32
    %scan3A_55 = arith.constant 79 : i32
    %scan3A_56 = arith.addi %scan3A_54, %scan3A_55 : i32
    %scan3A_57 = arith.constant 1 : i32
    scf.for %scan3A_62 = %scan3A_54 to %scan3A_56 step %scan3A_57  : i32 {
      %mul3A_63 = arith.constant 2 : i32
      %mul3A_64 = arith.muli %scan3A_62, %mul3A_63 : i32
      %add3A_65 = arith.constant 0 : i32
      %add3A_66 = arith.addi %mul3A_64, %add3A_65 : i32
      %dma_wait3A = arith.constant 0 : i32
      %dma_wait3A_67 = tpu.memref_slice %arg6[%add3A_66, %dma_wait3A] : memref<158x128xi32, #tpu.memory_space<vmem>> -> memref<1x128xi32, #tpu.memory_space<vmem>>
      %dma_wait3A_68 = tpu.memref_squeeze %dma_wait3A_67 : memref<1x128xi32, #tpu.memory_space<vmem>> -> memref<128xi32, #tpu.memory_space<vmem>>
      %dma_wait3A_69 = arith.constant 0 : i32
      %dma_wait3A_70 = arith.constant 0 : i32
      %dma_wait3A_71 = tpu.memref_slice %arg2[%dma_wait3A_69, %dma_wait3A_70] : memref<20480x64xbf16, #tpu.memory_space<hbm>> -> memref<20480x64xbf16, #tpu.memory_space<hbm>>
      tpu.wait_indirect_dma semaphore(%arg11 : memref<!tpu.dma_semaphore, #tpu.memory_space<semaphore_mem>>) src(%dma_wait3A_71 : memref<20480x64xbf16, #tpu.memory_space<hbm>>) dst(%arg8 : memref<128x64xbf16, #tpu.memory_space<vmem>>)
      %add3A_72 = arith.constant 1 : i32
      %add3A_73 = arith.addi %add3A_66, %add3A_72 : i32
      %lt3A = arith.constant 158 : i32
      %lt3A_74 = arith.cmpi slt, %add3A_73, %lt3A : i32
      %convert_element_type3A = arith.extui %lt3A_74 : i1 to i32
      %cond3A = arith.constant 0 : i32
      %cond3A_75 = arith.cmpi ne, %convert_element_type3A, %cond3A : i32
      scf.if %cond3A_75 {
        %add3A_93 = arith.constant 1 : i32
        %add3A_94 = arith.addi %add3A_66, %add3A_93 : i32
        %dma_start3A_95 = arith.constant 0 : i32
        %dma_start3A_96 = tpu.memref_slice %arg6[%add3A_94, %dma_start3A_95] : memref<158x128xi32, #tpu.memory_space<vmem>> -> memref<1x128xi32, #tpu.memory_space<vmem>>
        %dma_start3A_97 = tpu.memref_squeeze %dma_start3A_96 : memref<1x128xi32, #tpu.memory_space<vmem>> -> memref<128xi32, #tpu.memory_space<vmem>>
        %dma_start3A_98 = arith.constant 0 : i32
        %dma_start3A_99 = arith.constant 0 : i32
        %dma_start3A_100 = tpu.memref_slice %arg2[%dma_start3A_98, %dma_start3A_99] : memref<20480x64xbf16, #tpu.memory_space<hbm>> -> memref<20480x64xbf16, #tpu.memory_space<hbm>>
        tpu.enqueue_indirect_dma source(%dma_start3A_100 : memref<20480x64xbf16, #tpu.memory_space<hbm>>) target(%arg9 : memref<128x64xbf16, #tpu.memory_space<vmem>>) offsets(%dma_start3A_97 : memref<128xi32, #tpu.memory_space<vmem>>) semaphore(%arg12 : memref<!tpu.dma_semaphore, #tpu.memory_space<semaphore_mem>>)
      } else {
      }
      "tpu.region"() ({
        %run_scoped3A = tpu.sem_alloc : memref<!tpu.dma_semaphore, #tpu.memory_space<semaphore_mem>>
        %dma_start3A_93 = arith.constant 0 : i32
        %dma_start3A_94 = tpu.memref_slice %arg7[%add3A_66, %dma_start3A_93] : memref<158x128xi32, #tpu.memory_space<vmem>> -> memref<1x128xi32, #tpu.memory_space<vmem>>
        %dma_start3A_95 = tpu.memref_squeeze %dma_start3A_94 : memref<1x128xi32, #tpu.memory_space<vmem>> -> memref<128xi32, #tpu.memory_space<vmem>>
        %dma_start3A_96 = arith.constant 0 : i32
        %dma_start3A_97 = arith.constant 0 : i32
        %dma_start3A_98 = tpu.memref_slice %arg10[%dma_start3A_96, %dma_start3A_97] : memref<20480x64xbf16, #tpu.memory_space<vmem_shared>> -> memref<20480x64xbf16, #tpu.memory_space<vmem_shared>>
        tpu.enqueue_indirect_dma source(%arg8 : memref<128x64xbf16, #tpu.memory_space<vmem>>) target(%dma_start3A_98 : memref<20480x64xbf16, #tpu.memory_space<vmem_shared>>) offsets(%dma_start3A_95 : memref<128xi32, #tpu.memory_space<vmem>>) semaphore(%run_scoped3A : memref<!tpu.dma_semaphore, #tpu.memory_space<semaphore_mem>>) {add = true}
        %dma_wait3A_99 = arith.constant 0 : i32
        %dma_wait3A_100 = tpu.memref_slice %arg7[%add3A_66, %dma_wait3A_99] : memref<158x128xi32, #tpu.memory_space<vmem>> -> memref<1x128xi32, #tpu.memory_space<vmem>>
        %dma_wait3A_101 = tpu.memref_squeeze %dma_wait3A_100 : memref<1x128xi32, #tpu.memory_space<vmem>> -> memref<128xi32, #tpu.memory_space<vmem>>
        %dma_wait3A_102 = arith.constant 0 : i32
        %dma_wait3A_103 = arith.constant 0 : i32
        %dma_wait3A_104 = tpu.memref_slice %arg10[%dma_wait3A_102, %dma_wait3A_103] : memref<20480x64xbf16, #tpu.memory_space<vmem_shared>> -> memref<20480x64xbf16, #tpu.memory_space<vmem_shared>>
        tpu.wait_indirect_dma semaphore(%run_scoped3A : memref<!tpu.dma_semaphore, #tpu.memory_space<semaphore_mem>>) src(%arg8 : memref<128x64xbf16, #tpu.memory_space<vmem>>) dst(%dma_wait3A_104 : memref<20480x64xbf16, #tpu.memory_space<vmem_shared>>)
        tpu.yield
      }) : () -> ()
      %mul3A_76 = arith.constant 2 : i32
      %mul3A_77 = arith.muli %scan3A_62, %mul3A_76 : i32
      %add3A_78 = arith.constant 1 : i32
      %add3A_79 = arith.addi %mul3A_77, %add3A_78 : i32
      %dma_wait3A_80 = arith.constant 0 : i32
      %dma_wait3A_81 = tpu.memref_slice %arg6[%add3A_79, %dma_wait3A_80] : memref<158x128xi32, #tpu.memory_space<vmem>> -> memref<1x128xi32, #tpu.memory_space<vmem>>
      %dma_wait3A_82 = tpu.memref_squeeze %dma_wait3A_81 : memref<1x128xi32, #tpu.memory_space<vmem>> -> memref<128xi32, #tpu.memory_space<vmem>>
      %dma_wait3A_83 = arith.constant 0 : i32
      %dma_wait3A_84 = arith.constant 0 : i32
      %dma_wait3A_85 = tpu.memref_slice %arg2[%dma_wait3A_83, %dma_wait3A_84] : memref<20480x64xbf16, #tpu.memory_space<hbm>> -> memref<20480x64xbf16, #tpu.memory_space<hbm>>
      tpu.wait_indirect_dma semaphore(%arg12 : memref<!tpu.dma_semaphore, #tpu.memory_space<semaphore_mem>>) src(%dma_wait3A_85 : memref<20480x64xbf16, #tpu.memory_space<hbm>>) dst(%arg9 : memref<128x64xbf16, #tpu.memory_space<vmem>>)
      %add3A_86 = arith.constant 1 : i32
      %add3A_87 = arith.addi %add3A_79, %add3A_86 : i32
      %lt3A_88 = arith.constant 158 : i32
      %lt3A_89 = arith.cmpi slt, %add3A_87, %lt3A_88 : i32
      %convert_element_type3A_90 = arith.extui %lt3A_89 : i1 to i32
      %cond3A_91 = arith.constant 0 : i32
      %cond3A_92 = arith.cmpi ne, %convert_element_type3A_90, %cond3A_91 : i32
      scf.if %cond3A_92 {
        %add3A_93 = arith.constant 1 : i32
        %add3A_94 = arith.addi %add3A_79, %add3A_93 : i32
        %dma_start3A_95 = arith.constant 0 : i32
        %dma_start3A_96 = tpu.memref_slice %arg6[%add3A_94, %dma_start3A_95] : memref<158x128xi32, #tpu.memory_space<vmem>> -> memref<1x128xi32, #tpu.memory_space<vmem>>
        %dma_start3A_97 = tpu.memref_squeeze %dma_start3A_96 : memref<1x128xi32, #tpu.memory_space<vmem>> -> memref<128xi32, #tpu.memory_space<vmem>>
        %dma_start3A_98 = arith.constant 0 : i32
        %dma_start3A_99 = arith.constant 0 : i32
        %dma_start3A_100 = tpu.memref_slice %arg2[%dma_start3A_98, %dma_start3A_99] : memref<20480x64xbf16, #tpu.memory_space<hbm>> -> memref<20480x64xbf16, #tpu.memory_space<hbm>>
        tpu.enqueue_indirect_dma source(%dma_start3A_100 : memref<20480x64xbf16, #tpu.memory_space<hbm>>) target(%arg8 : memref<128x64xbf16, #tpu.memory_space<vmem>>) offsets(%dma_start3A_97 : memref<128xi32, #tpu.memory_space<vmem>>) semaphore(%arg11 : memref<!tpu.dma_semaphore, #tpu.memory_space<semaphore_mem>>)
      } else {
      }
      "tpu.region"() ({
        %run_scoped3A = tpu.sem_alloc : memref<!tpu.dma_semaphore, #tpu.memory_space<semaphore_mem>>
        %dma_start3A_93 = arith.constant 0 : i32
        %dma_start3A_94 = tpu.memref_slice %arg7[%add3A_79, %dma_start3A_93] : memref<158x128xi32, #tpu.memory_space<vmem>> -> memref<1x128xi32, #tpu.memory_space<vmem>>
        %dma_start3A_95 = tpu.memref_squeeze %dma_start3A_94 : memref<1x128xi32, #tpu.memory_space<vmem>> -> memref<128xi32, #tpu.memory_space<vmem>>
        %dma_start3A_96 = arith.constant 0 : i32
        %dma_start3A_97 = arith.constant 0 : i32
        %dma_start3A_98 = tpu.memref_slice %arg10[%dma_start3A_96, %dma_start3A_97] : memref<20480x64xbf16, #tpu.memory_space<vmem_shared>> -> memref<20480x64xbf16, #tpu.memory_space<vmem_shared>>
        tpu.enqueue_indirect_dma source(%arg9 : memref<128x64xbf16, #tpu.memory_space<vmem>>) target(%dma_start3A_98 : memref<20480x64xbf16, #tpu.memory_space<vmem_shared>>) offsets(%dma_start3A_95 : memref<128xi32, #tpu.memory_space<vmem>>) semaphore(%run_scoped3A : memref<!tpu.dma_semaphore, #tpu.memory_space<semaphore_mem>>) {add = true}
        %dma_wait3A_99 = arith.constant 0 : i32
        %dma_wait3A_100 = tpu.memref_slice %arg7[%add3A_79, %dma_wait3A_99] : memref<158x128xi32, #tpu.memory_space<vmem>> -> memref<1x128xi32, #tpu.memory_space<vmem>>
        %dma_wait3A_101 = tpu.memref_squeeze %dma_wait3A_100 : memref<1x128xi32, #tpu.memory_space<vmem>> -> memref<128xi32, #tpu.memory_space<vmem>>
        %dma_wait3A_102 = arith.constant 0 : i32
        %dma_wait3A_103 = arith.constant 0 : i32
        %dma_wait3A_104 = tpu.memref_slice %arg10[%dma_wait3A_102, %dma_wait3A_103] : memref<20480x64xbf16, #tpu.memory_space<vmem_shared>> -> memref<20480x64xbf16, #tpu.memory_space<vmem_shared>>
        tpu.wait_indirect_dma semaphore(%run_scoped3A : memref<!tpu.dma_semaphore, #tpu.memory_space<semaphore_mem>>) src(%arg9 : memref<128x64xbf16, #tpu.memory_space<vmem>>) dst(%dma_wait3A_104 : memref<20480x64xbf16, #tpu.memory_space<vmem_shared>>)
        tpu.yield
      }) : () -> ()
    }
    %scan3A_58 = arith.constant 79 : i32
    %barrier3A_59 = arith.constant 0 : index
    tpu.barrier barrier_id(%barrier3A_59)
    %mul3A_60 = arith.constant 1280 : i32
    %mul3A_61 = arith.muli %arg1, %mul3A_60 : i32
    "tpu.region"() ({
      %run_scoped3A = tpu.sem_alloc : memref<!tpu.dma_semaphore, #tpu.memory_space<semaphore_mem>>
      %dma_start3A_62 = arith.constant 0 : i32
      %dma_start3A_63 = tpu.memref_slice %arg5[%arg0, %mul3A_61, %dma_start3A_62] : memref<2x20480x64xbf16, #tpu.memory_space<hbm>> -> memref<1x1280x64xbf16, #tpu.memory_space<hbm>>
      %dma_start3A_64 = tpu.memref_squeeze %dma_start3A_63 : memref<1x1280x64xbf16, #tpu.memory_space<hbm>> -> memref<1280x64xbf16, #tpu.memory_space<hbm>>
      %dma_start3A_65 = arith.constant 0 : i32
      %dma_start3A_66 = tpu.memref_slice %arg10[%mul3A_61, %dma_start3A_65] : memref<20480x64xbf16, #tpu.memory_space<vmem_shared>> -> memref<1280x64xbf16, #tpu.memory_space<vmem_shared>>
      tpu.enqueue_dma source(%dma_start3A_66 : memref<1280x64xbf16, #tpu.memory_space<vmem_shared>>) target(%dma_start3A_64 : memref<1280x64xbf16, #tpu.memory_space<hbm>>) target_semaphore(%run_scoped3A : memref<!tpu.dma_semaphore, #tpu.memory_space<semaphore_mem>>)
      %dma_wait3A = arith.constant 0 : i32
      %dma_wait3A_67 = tpu.memref_slice %arg5[%arg0, %mul3A_61, %dma_wait3A] : memref<2x20480x64xbf16, #tpu.memory_space<hbm>> -> memref<1x1280x64xbf16, #tpu.memory_space<hbm>>
      %dma_wait3A_68 = tpu.memref_squeeze %dma_wait3A_67 : memref<1x1280x64xbf16, #tpu.memory_space<hbm>> -> memref<1280x64xbf16, #tpu.memory_space<hbm>>
      %dma_wait3A_69 = arith.constant 0 : i32
      %dma_wait3A_70 = tpu.memref_slice %arg10[%mul3A_61, %dma_wait3A_69] : memref<20480x64xbf16, #tpu.memory_space<vmem_shared>> -> memref<1280x64xbf16, #tpu.memory_space<vmem_shared>>
      tpu.wait_dma2 semaphore(%run_scoped3A : memref<!tpu.dma_semaphore, #tpu.memory_space<semaphore_mem>>) src(%dma_wait3A_70 : memref<1280x64xbf16, #tpu.memory_space<vmem_shared>>) dst(%dma_wait3A_68 : memref<1280x64xbf16, #tpu.memory_space<hbm>>)
      tpu.yield
    }) : () -> ()
    return
  }
}

module attributes {stable_mosaic.version = 14 : i64} {
  func.func @_mm_body(%arg0: i32, %arg1: memref<1024x128xf32, #tpu.memory_space<vmem>>, %arg2: memref<64x128xf32, #tpu.memory_space<vmem>>, %arg3: memref<1024x64xbf16, #tpu.memory_space<vmem>>) attributes {dimension_semantics = [#tpu.dimension_semantics<arbitrary>], iteration_bounds = array<i64: 20>, scalar_prefetch = 0 : i64, scratch_operands = 0 : i64, tpu.core_type = #tpu.core_type<tc>, window_params = [{transform_indices = @transform_0, window_bounds = array<i64: 1024, 128>}, {pipeline_mode = #tpu.pipeline_mode<synchronous>, transform_indices = @transform_1, window_bounds = array<i64: 64, 128>}, {transform_indices = @transform_2, window_bounds = array<i64: 1024, 64>}]} {
    %get3A = arith.constant 0 : index
    %get3A_0 = arith.constant 0 : index
    %get3A_1 = vector.load %arg1[%get3A, %get3A_0] : memref<1024x128xf32, #tpu.memory_space<vmem>>, vector<1024x128xf32>
    %get3A_2 = arith.constant 0 : index
    %get3A_3 = arith.constant 0 : index
    %get3A_4 = vector.load %arg2[%get3A_2, %get3A_3] : memref<64x128xf32, #tpu.memory_space<vmem>>, vector<64x128xf32>
    %dot_general3A = arith.constant dense<0.000000e+00> : vector<1024x64xf32>
    %dot_general3A_5 = tpu.matmul %get3A_1, %get3A_4, %dot_general3A {dimension_numbers = #tpu.dot_dimension_numbers<[1], [1], [0], [0], [0, 0, 1, 0], [], []>, transpose_lhs_hint = false} : vector<1024x128xf32>, vector<64x128xf32>, vector<1024x64xf32> -> vector<1024x64xf32>
    %convert_element_type3A = arith.truncf %dot_general3A_5 : vector<1024x64xf32> to vector<1024x64xbf16>
    %swap3A = arith.constant 0 : index
    %swap3A_6 = arith.constant 0 : index
    %swap3A_7 = vector.load %arg3[%swap3A, %swap3A_6] : memref<1024x64xbf16, #tpu.memory_space<vmem>>, vector<1024x64xbf16>
    tpu.vector_store %arg3[%swap3A, %swap3A_6], %convert_element_type3A {strides = array<i32>} : memref<1024x64xbf16, #tpu.memory_space<vmem>>, vector<1024x64xbf16>,
    return
  }
  func.func @transform_0(%arg0: i32) -> (i32, i32) {
    %c0_i32 = arith.constant 0 : i32
    %c0_i32_0 = arith.constant 0 : i32
    return %arg0, %c0_i32 : i32, i32
  }
  func.func @transform_1(%arg0: i32) -> (i32, i32) {
    %c0_i32 = arith.constant 0 : i32
    %c0_i32_0 = arith.constant 0 : i32
    %c0_i32_1 = arith.constant 0 : i32
    return %c0_i32, %c0_i32_0 : i32, i32
  }
  func.func @transform_2(%arg0: i32) -> (i32, i32) {
    %c0_i32 = arith.constant 0 : i32
    %c0_i32_0 = arith.constant 0 : i32
    return %arg0, %c0_i32 : i32, i32
  }
}

module attributes {stable_mosaic.version = 14 : i64} {
  func.func @body(%arg0: i32, %arg1: memref<1024x128xf32, #tpu.memory_space<vmem>>, %arg2: memref<64x128xf32, #tpu.memory_space<vmem>>, %arg3: memref<2x1024x64xbf16, #tpu.memory_space<vmem>>, %arg4: memref<2x1024xf32, #tpu.memory_space<vmem>>, %arg5: memref<64x128xf32, #tpu.memory_space<vmem>>, %arg6: memref<1024x128xf32, #tpu.memory_space<vmem>>, %arg7: memref<1024x64xbf16, #tpu.memory_space<vmem>>) attributes {dimension_semantics = [#tpu.dimension_semantics<arbitrary>], iteration_bounds = array<i64: 20>, scalar_prefetch = 0 : i64, scratch_operands = 0 : i64, tpu.core_type = #tpu.core_type<tc>, window_params = [{transform_indices = @transform_0, window_bounds = array<i64: 1024, 128>}, {pipeline_mode = #tpu.pipeline_mode<synchronous>, transform_indices = @transform_1, window_bounds = array<i64: 64, 128>}, {transform_indices = @transform_2, window_bounds = array<i64: 2, 1024, 64>}, {transform_indices = @transform_3, window_bounds = array<i64: 2, 1024>}, {pipeline_mode = #tpu.pipeline_mode<synchronous>, transform_indices = @transform_4, window_bounds = array<i64: 64, 128>}, {transform_indices = @transform_5, window_bounds = array<i64: 1024, 128>}, {transform_indices = @transform_6, window_bounds = array<i64: 1024, 64>}]} {
    %get3A = arith.constant 0 : index
    %get3A_0 = arith.constant 0 : index
    %get3A_1 = vector.load %arg1[%get3A, %get3A_0] : memref<1024x128xf32, #tpu.memory_space<vmem>>, vector<1024x128xf32>
    %get3A_2 = arith.constant 0 : index
    %get3A_3 = arith.constant 0 : index
    %get3A_4 = vector.load %arg2[%get3A_2, %get3A_3] : memref<64x128xf32, #tpu.memory_space<vmem>>, vector<64x128xf32>
    %dot_general3A = arith.constant dense<0.000000e+00> : vector<1024x64xf32>
    %dot_general3A_5 = tpu.matmul %get3A_1, %get3A_4, %dot_general3A {dimension_numbers = #tpu.dot_dimension_numbers<[1], [1], [0], [0], [0, 0, 1, 0], [], []>, transpose_lhs_hint = false} : vector<1024x128xf32>, vector<64x128xf32>, vector<1024x64xf32> -> vector<1024x64xf32>
    %get3A_6 = arith.constant 0 : index
    %get3A_7 = arith.constant 0 : index
    %get3A_8 = arith.constant 0 : index
    %get3A_9 = vector.load %arg3[%get3A_6, %get3A_7, %get3A_8] : memref<2x1024x64xbf16, #tpu.memory_space<vmem>>, vector<1x1024x64xbf16>
    %get3A_10 = vector.shape_cast %get3A_9 : vector<1x1024x64xbf16> to vector<1024x64xbf16>
    %convert_element_type3A = arith.extf %get3A_10 : vector<1024x64xbf16> to vector<1024x64xf32>
    %get3A_11 = arith.constant 1 : index
    %get3A_12 = arith.constant 0 : index
    %get3A_13 = arith.constant 0 : index
    %get3A_14 = vector.load %arg3[%get3A_11, %get3A_12, %get3A_13] : memref<2x1024x64xbf16, #tpu.memory_space<vmem>>, vector<1x1024x64xbf16>
    %get3A_15 = vector.shape_cast %get3A_14 : vector<1x1024x64xbf16> to vector<1024x64xbf16>
    %convert_element_type3A_16 = arith.extf %get3A_15 : vector<1024x64xbf16> to vector<1024x64xf32>
    %add3A = arith.addf %convert_element_type3A, %convert_element_type3A_16 : vector<1024x64xf32>
    %get3A_17 = arith.constant 0 : index
    %get3A_18 = arith.constant 0 : index
    %get3A_19 = vector.load %arg4[%get3A_17, %get3A_18] : memref<2x1024xf32, #tpu.memory_space<vmem>>, vector<1x1024xf32>
    %get3A_20 = vector.shape_cast %get3A_19 : vector<1x1024xf32> to vector<1024xf32>
    %get3A_21 = arith.constant 1 : index
    %get3A_22 = arith.constant 0 : index
    %get3A_23 = vector.load %arg4[%get3A_21, %get3A_22] : memref<2x1024xf32, #tpu.memory_space<vmem>>, vector<1x1024xf32>
    %get3A_24 = vector.shape_cast %get3A_23 : vector<1x1024xf32> to vector<1024xf32>
    %add3A_25 = arith.addf %get3A_20, %get3A_24 : vector<1024xf32>
    %gt3A = arith.constant 0.000000e+00 : f32
    %gt3A_26 = vector.broadcast %gt3A : f32 to vector<1024xf32>
    %gt3A_27 = arith.cmpf ogt, %add3A_25, %gt3A_26 : vector<1024xf32>
    %div3A = arith.constant 1.000000e+00 : f32
    %div3A_28 = vector.broadcast %div3A : f32 to vector<1024xf32>
    %div3A_29 = arith.divf %div3A_28, %add3A_25 : vector<1024xf32>
    %jit3A = arith.constant 0.000000e+00 : f32
    %broadcast_in_dim3A = vector.broadcast %jit3A : f32 to vector<1024xf32>
    %select_n3A = arith.select %gt3A_27, %div3A_29, %broadcast_in_dim3A : vector<1024xi1>, vector<1024xf32>
    %broadcast_in_dim3A_30 = vector.shape_cast %select_n3A : vector<1024xf32> to vector<1024x1xf32>
    %mul3A = vector.broadcast %broadcast_in_dim3A_30 : vector<1024x1xf32> to vector<1024x64xf32>
    %mul3A_31 = arith.mulf %add3A, %mul3A : vector<1024x64xf32>
    %concatenate3A = tpu.concatenate %dot_general3A_5, %mul3A_31 in 1 : vector<1024x64xf32>, vector<1024x64xf32> -> vector<1024x128xf32>
    %logistic3A = arith.negf %concatenate3A : vector<1024x128xf32>
    %logistic3A_32 = math.exp %logistic3A : vector<1024x128xf32>
    %logistic3A_33 = arith.constant 1.000000e+00 : f32
    %logistic3A_34 = vector.broadcast %logistic3A_33 : f32 to vector<1024x128xf32>
    %logistic3A_35 = arith.addf %logistic3A_34, %logistic3A_32 : vector<1024x128xf32>
    %logistic3A_36 = arith.divf %logistic3A_34, %logistic3A_35 : vector<1024x128xf32>
    %swap3A = arith.constant 0 : index
    %swap3A_37 = arith.constant 0 : index
    %swap3A_38 = vector.load %arg6[%swap3A, %swap3A_37] : memref<1024x128xf32, #tpu.memory_space<vmem>>, vector<1024x128xf32>
    tpu.vector_store %arg6[%swap3A, %swap3A_37], %logistic3A_36 {strides = array<i32>} : memref<1024x128xf32, #tpu.memory_space<vmem>>, vector<1024x128xf32>,
    %get3A_39 = arith.constant 0 : index
    %get3A_40 = arith.constant 0 : index
    %get3A_41 = vector.load %arg5[%get3A_39, %get3A_40] : memref<64x128xf32, #tpu.memory_space<vmem>>, vector<64x128xf32>
    %dot_general3A_42 = arith.constant dense<0.000000e+00> : vector<1024x64xf32>
    %dot_general3A_43 = tpu.matmul %logistic3A_36, %get3A_41, %dot_general3A_42 {dimension_numbers = #tpu.dot_dimension_numbers<[1], [1], [0], [0], [0, 0, 1, 0], [], []>, transpose_lhs_hint = false} : vector<1024x128xf32>, vector<64x128xf32>, vector<1024x64xf32> -> vector<1024x64xf32>
    %convert_element_type3A_44 = arith.truncf %dot_general3A_43 : vector<1024x64xf32> to vector<1024x64xbf16>
    %swap3A_45 = arith.constant 0 : index
    %swap3A_46 = arith.constant 0 : index
    %swap3A_47 = vector.load %arg7[%swap3A_45, %swap3A_46] : memref<1024x64xbf16, #tpu.memory_space<vmem>>, vector<1024x64xbf16>
    tpu.vector_store %arg7[%swap3A_45, %swap3A_46], %convert_element_type3A_44 {strides = array<i32>} : memref<1024x64xbf16, #tpu.memory_space<vmem>>, vector<1024x64xbf16>,
    return
  }
  func.func @transform_0(%arg0: i32) -> (i32, i32) {
    %c0_i32 = arith.constant 0 : i32
    %c0_i32_0 = arith.constant 0 : i32
    return %arg0, %c0_i32 : i32, i32
  }
  func.func @transform_1(%arg0: i32) -> (i32, i32) {
    %c0_i32 = arith.constant 0 : i32
    %c0_i32_0 = arith.constant 0 : i32
    %c0_i32_1 = arith.constant 0 : i32
    return %c0_i32, %c0_i32_0 : i32, i32
  }
  func.func @transform_2(%arg0: i32) -> (i32, i32, i32) {
    %c0_i32 = arith.constant 0 : i32
    %c0_i32_0 = arith.constant 0 : i32
    %c0_i32_1 = arith.constant 0 : i32
    return %c0_i32, %arg0, %c0_i32_0 : i32, i32, i32
  }
  func.func @transform_3(%arg0: i32) -> (i32, i32) {
    %c0_i32 = arith.constant 0 : i32
    %c0_i32_0 = arith.constant 0 : i32
    return %c0_i32, %arg0 : i32, i32
  }
  func.func @transform_4(%arg0: i32) -> (i32, i32) {
    %c0_i32 = arith.constant 0 : i32
    %c0_i32_0 = arith.constant 0 : i32
    %c0_i32_1 = arith.constant 0 : i32
    return %c0_i32, %c0_i32_0 : i32, i32
  }
  func.func @transform_5(%arg0: i32) -> (i32, i32) {
    %c0_i32 = arith.constant 0 : i32
    %c0_i32_0 = arith.constant 0 : i32
    return %arg0, %c0_i32 : i32, i32
  }
  func.func @transform_6(%arg0: i32) -> (i32, i32) {
    %c0_i32 = arith.constant 0 : i32
    %c0_i32_0 = arith.constant 0 : i32
    return %arg0, %c0_i32 : i32, i32
  }
}

module attributes {stable_mosaic.version = 14 : i64} {
  func.func @body(%arg0: i32, %arg1: memref<1024x128xf32, #tpu.memory_space<vmem>>, %arg2: memref<64x128xf32, #tpu.memory_space<vmem>>, %arg3: memref<2x1024x64xbf16, #tpu.memory_space<vmem>>, %arg4: memref<2x1024xf32, #tpu.memory_space<vmem>>, %arg5: memref<1024x128xf32, #tpu.memory_space<vmem>>) attributes {dimension_semantics = [#tpu.dimension_semantics<arbitrary>], iteration_bounds = array<i64: 20>, scalar_prefetch = 0 : i64, scratch_operands = 0 : i64, tpu.core_type = #tpu.core_type<tc>, window_params = [{transform_indices = @transform_0, window_bounds = array<i64: 1024, 128>}, {pipeline_mode = #tpu.pipeline_mode<synchronous>, transform_indices = @transform_1, window_bounds = array<i64: 64, 128>}, {transform_indices = @transform_2, window_bounds = array<i64: 2, 1024, 64>}, {transform_indices = @transform_3, window_bounds = array<i64: 2, 1024>}, {transform_indices = @transform_4, window_bounds = array<i64: 1024, 128>}]} {
    %get3A = arith.constant 0 : index
    %get3A_0 = arith.constant 0 : index
    %get3A_1 = vector.load %arg1[%get3A, %get3A_0] : memref<1024x128xf32, #tpu.memory_space<vmem>>, vector<1024x128xf32>
    %get3A_2 = arith.constant 0 : index
    %get3A_3 = arith.constant 0 : index
    %get3A_4 = vector.load %arg2[%get3A_2, %get3A_3] : memref<64x128xf32, #tpu.memory_space<vmem>>, vector<64x128xf32>
    %dot_general3A = arith.constant dense<0.000000e+00> : vector<1024x64xf32>
    %dot_general3A_5 = tpu.matmul %get3A_1, %get3A_4, %dot_general3A {dimension_numbers = #tpu.dot_dimension_numbers<[1], [1], [0], [0], [0, 0, 1, 0], [], []>, transpose_lhs_hint = false} : vector<1024x128xf32>, vector<64x128xf32>, vector<1024x64xf32> -> vector<1024x64xf32>
    %get3A_6 = arith.constant 0 : index
    %get3A_7 = arith.constant 0 : index
    %get3A_8 = arith.constant 0 : index
    %get3A_9 = vector.load %arg3[%get3A_6, %get3A_7, %get3A_8] : memref<2x1024x64xbf16, #tpu.memory_space<vmem>>, vector<1x1024x64xbf16>
    %get3A_10 = vector.shape_cast %get3A_9 : vector<1x1024x64xbf16> to vector<1024x64xbf16>
    %convert_element_type3A = arith.extf %get3A_10 : vector<1024x64xbf16> to vector<1024x64xf32>
    %get3A_11 = arith.constant 1 : index
    %get3A_12 = arith.constant 0 : index
    %get3A_13 = arith.constant 0 : index
    %get3A_14 = vector.load %arg3[%get3A_11, %get3A_12, %get3A_13] : memref<2x1024x64xbf16, #tpu.memory_space<vmem>>, vector<1x1024x64xbf16>
    %get3A_15 = vector.shape_cast %get3A_14 : vector<1x1024x64xbf16> to vector<1024x64xbf16>
    %convert_element_type3A_16 = arith.extf %get3A_15 : vector<1024x64xbf16> to vector<1024x64xf32>
    %add3A = arith.addf %convert_element_type3A, %convert_element_type3A_16 : vector<1024x64xf32>
    %get3A_17 = arith.constant 0 : index
    %get3A_18 = arith.constant 0 : index
    %get3A_19 = vector.load %arg4[%get3A_17, %get3A_18] : memref<2x1024xf32, #tpu.memory_space<vmem>>, vector<1x1024xf32>
    %get3A_20 = vector.shape_cast %get3A_19 : vector<1x1024xf32> to vector<1024xf32>
    %get3A_21 = arith.constant 1 : index
    %get3A_22 = arith.constant 0 : index
    %get3A_23 = vector.load %arg4[%get3A_21, %get3A_22] : memref<2x1024xf32, #tpu.memory_space<vmem>>, vector<1x1024xf32>
    %get3A_24 = vector.shape_cast %get3A_23 : vector<1x1024xf32> to vector<1024xf32>
    %add3A_25 = arith.addf %get3A_20, %get3A_24 : vector<1024xf32>
    %gt3A = arith.constant 0.000000e+00 : f32
    %gt3A_26 = vector.broadcast %gt3A : f32 to vector<1024xf32>
    %gt3A_27 = arith.cmpf ogt, %add3A_25, %gt3A_26 : vector<1024xf32>
    %div3A = arith.constant 1.000000e+00 : f32
    %div3A_28 = vector.broadcast %div3A : f32 to vector<1024xf32>
    %div3A_29 = arith.divf %div3A_28, %add3A_25 : vector<1024xf32>
    %jit3A = arith.constant 0.000000e+00 : f32
    %broadcast_in_dim3A = vector.broadcast %jit3A : f32 to vector<1024xf32>
    %select_n3A = arith.select %gt3A_27, %div3A_29, %broadcast_in_dim3A : vector<1024xi1>, vector<1024xf32>
    %broadcast_in_dim3A_30 = vector.shape_cast %select_n3A : vector<1024xf32> to vector<1024x1xf32>
    %mul3A = vector.broadcast %broadcast_in_dim3A_30 : vector<1024x1xf32> to vector<1024x64xf32>
    %mul3A_31 = arith.mulf %add3A, %mul3A : vector<1024x64xf32>
    %concatenate3A = tpu.concatenate %dot_general3A_5, %mul3A_31 in 1 : vector<1024x64xf32>, vector<1024x64xf32> -> vector<1024x128xf32>
    %logistic3A = arith.negf %concatenate3A : vector<1024x128xf32>
    %logistic3A_32 = math.exp %logistic3A : vector<1024x128xf32>
    %logistic3A_33 = arith.constant 1.000000e+00 : f32
    %logistic3A_34 = vector.broadcast %logistic3A_33 : f32 to vector<1024x128xf32>
    %logistic3A_35 = arith.addf %logistic3A_34, %logistic3A_32 : vector<1024x128xf32>
    %logistic3A_36 = arith.divf %logistic3A_34, %logistic3A_35 : vector<1024x128xf32>
    %swap3A = arith.constant 0 : index
    %swap3A_37 = arith.constant 0 : index
    %swap3A_38 = vector.load %arg5[%swap3A, %swap3A_37] : memref<1024x128xf32, #tpu.memory_space<vmem>>, vector<1024x128xf32>
    tpu.vector_store %arg5[%swap3A, %swap3A_37], %logistic3A_36 {strides = array<i32>} : memref<1024x128xf32, #tpu.memory_space<vmem>>, vector<1024x128xf32>,
    return
  }
  func.func @transform_0(%arg0: i32) -> (i32, i32) {
    %c0_i32 = arith.constant 0 : i32
    %c0_i32_0 = arith.constant 0 : i32
    return %arg0, %c0_i32 : i32, i32
  }
  func.func @transform_1(%arg0: i32) -> (i32, i32) {
    %c0_i32 = arith.constant 0 : i32
    %c0_i32_0 = arith.constant 0 : i32
    %c0_i32_1 = arith.constant 0 : i32
    return %c0_i32, %c0_i32_0 : i32, i32
  }
  func.func @transform_2(%arg0: i32) -> (i32, i32, i32) {
    %c0_i32 = arith.constant 0 : i32
    %c0_i32_0 = arith.constant 0 : i32
    %c0_i32_1 = arith.constant 0 : i32
    return %c0_i32, %arg0, %c0_i32_0 : i32, i32, i32
  }
  func.func @transform_3(%arg0: i32) -> (i32, i32) {
    %c0_i32 = arith.constant 0 : i32
    %c0_i32_0 = arith.constant 0 : i32
    return %c0_i32, %arg0 : i32, i32
  }
  func.func @transform_4(%arg0: i32) -> (i32, i32) {
    %c0_i32 = arith.constant 0 : i32
    %c0_i32_0 = arith.constant 0 : i32
    return %arg0, %c0_i32 : i32, i32
  }
}

</mosaic_0001>

<sc_bundles>
// kernel: kernel.10.cloned.1.call-start
scs
__scs_entry_jumppad:
0x0: {  	(pc) =	sbr.rel $0x88, $3  }
0x1: {  	(tag) =	ssettag $0x0;
	lr =	simm.s32 $0x1  }
0x2: {  	[smem:$0x3F99] =	sst lr;
	_ =	strace $0xD0000000  }
0x3: {  	_ = 	snop  }
0x4: {  	_ = 	snop  }
0x5: {  	_ = 	snop  }
0x6: {  	_ = 	snop  }
0x7: {  	_ = 	snop  }
__scs_overlays_trampoline_lowered:
0x8: {  	[smem:$0x3FA8] =	sst s0  }
0x9: {  	[smem:$0x3FA9] =	sst s1  }
0xa: {  	[smem:$0x3FAA] =	sst s2  }
0xb: {  	[smem:$0x3FAB] =	sst s3  }
0xc: {  	[smem:$0x3FAC] =	sst s4  }
0xd: {  	[smem:$0x3FAD] =	sst s5  }
0xe: {  	[smem:$0x3FAE] =	sst s6  }
0xf: {  	[smem:$0x3FAF] =	sst s7  }
0x10: {  	[smem:$0x3FB0] =	sst s8  }
0x11: {  	[smem:$0x3FB1] =	sst s9;
	s0 =	simm.s32 @!p0 $0x0  }
0x12: {  	s1 =	sld [smem:$0x3F97];
	s0 =	simm.s32 @p0 $0x1  }
0x13: {  	[smem:$0x3FB2] =	sst s0;
	s0 =	simm.s32 @!p1 $0x0  }
0x14: {  	s2 =	sld [smem:$0x3F96];
	s0 =	simm.s32 @p1 $0x1  }
0x15: {  	[smem:$0x3FB3] =	sst s0;
	s0 =	simm.s32 @!p2 $0x0  }
0x16: {  	s3 =	sld [smem:$0x3FDB];
	s0 =	simm.s32 @p2 $0x1  }
0x17: {  	s4 =	simm.s32 $0x1BF5;
	[smem:$0x3FB5] =	sst s0  }
0x18: {  	s0 =	sld [smem:$0x3F98];
	_ =	swait.ge [sflag:s4], $0x0  }
0x19: {  	s7 =	sld [smem:$0x3F99]  }
0x1a: {  	s8 =	sadd.s32 $0xFFFFE003, lr  }
0x1b: {  	s9 =	sadd.s32 $0xFFFFFEF7, lr;
	s5 =	simm.s32 $0xFFFFFFFF;
	p2 =	slt.u32 s8, $0xFFFFF086  }
0x1c: {  	p1 =	slt.u32 s9, $0xF7A;
	s5 =	simm.s32 @!p2 $0x0  }
0x1d: {  	s5 =	simm.s32 @p1 $0x1;
	p0 =	seq.s32 s7, s2  }
0x1e: {  	s7 =	smul.u32 @!p0 $0xF7A, s2;
	p2 =	seq.s32 @!p0 s5, $0x0  }
0x1f: {  	s9 =	smul.u32 $0xF7A, s1;
	s8 =	simm.s32 @!p0 $0x1BF5;
	p2 =	por !p2, p0  }
0x20: {  	[sflag:s8] =	ssyncset.s32 @!p0 $0xFFFFF086;
	s6 =	sadd.s32 @!p0 s3, s7;
	s7 =	simm.s32 @!p0 $0x108  }
0x21: {  	s3 =	sadd.s32 s3, s9;
	s6 =	sadd.s32 @!p0 $0x88, s6;
	s7 =	simm.s32 @p2 $0x1082  }
0x22: {  	[simem:s7], [sflag:s8] =	dma.local @!p0 [hbm:s6], $0xF7A  }
0x23: {  	s9 =	sor.u32 $0xD0000000, s2;
	s6 =	simm.s32 $0x108;
	_ =	swait.ge @!p0 [sflag:s8], $0x0  }
0x24: {  	s3 =	sadd.s32 $0x88, s3;
	s6 =	simm.s32 @!p1 $0x1082;
	[sflag:s4] =	ssyncset.s32 $0xFFFFF086  }
0x25: {  	[simem:s6], [sflag:s4] =	dma.local [hbm:s3], $0xF7A  }
0x26: {  	[smem:$0x3F99] =	sst s1;
	(tag) =	ssettag s2;
	_ =	strace s9  }
0x27: {  	s1 =	sld [smem:$0x3FA9]  }
0x28: {  	s2 =	sld [smem:$0x3FAA]  }
0x29: {  	s4 =	sld [smem:$0x3FAC]  }
0x2a: {  	p0 =	seq.s32 s5, $0x0;
	s5 =	sld [smem:$0x3FAD]  }
0x2b: {  	s6 =	sld [smem:$0x3FAE]  }
0x2c: {  	s7 =	sld [smem:$0x3FAF]  }
0x2d: {  	s3 =	simm.s32 $0x108;
	s8 =	sld [smem:$0x3FB0]  }
0x2e: {  	s3 =	simm.s32 @!p0 $0x1082;
	s9 =	sld [smem:$0x3FB1]  }
0x2f: {  	lr =	sadd.s32 s0, s3;
	s0 =	sld [smem:$0x3FA8]  }
0x30: {  	s3 =	sld [smem:$0x3FAB]  }
0x31: {  	[smem:$0x3FB4] =	sst s10  }
0x32: {  	s10 =	sld [smem:$0x3FB2];
	_ =	sdelay $0x3  }
0x33: {  	p0 =	seq.s32 s10, $0x1;
	s10 =	sld [smem:$0x3FB4];
	_ =	sdelay $0x3  }
0x34: {  	[smem:$0x3FB4] =	sst s10  }
0x35: {  	s10 =	sld [smem:$0x3FB3];
	_ =	sdelay $0x3  }
0x36: {  	p1 =	seq.s32 s10, $0x1;
	s10 =	sld [smem:$0x3FB4];
	_ =	sdelay $0x3  }
0x37: {  	[smem:$0x3FB4] =	sst s10  }
0x38: {  	s10 =	sld [smem:$0x3FB5]  }
0x39: {  	_ = 	snop;
	(pc) =	sbr.ind lr, $3  }
0x3a: {  	_ = 	snop  }
0x3b: {  	_ = 	snop  }
0x3c: {  	p2 =	seq.s32 s10, $0x1;
	s10 =	sld [smem:$0x3FB4]  }
0x3d: {  	_ =	shalt  }
0x3e: {  	_ =	shalt  }
0x3f: {  	_ =	shalt  }
0x40: {  	_ =	shalt  }
0x41: {  	_ =	shalt  }
0x42: {  	_ =	shalt  }
0x43: {  	_ =	shalt  }
0x44: {  	_ =	shalt  }
0x45: {  	_ =	shalt  }
0x46: {  	_ =	shalt  }
0x47: {  	_ =	shalt  }
0x48: {  	_ =	shalt  }
0x49: {  	_ =	shalt  }
0x4a: {  	_ =	shalt  }
0x4b: {  	_ =	shalt  }
0x4c: {  	_ =	shalt  }
0x4d: {  	_ =	shalt  }
0x4e: {  	_ =	shalt  }
0x4f: {  	_ =	shalt  }
0x50: {  	_ =	shalt  }
0x51: {  	_ =	shalt  }
0x52: {  	_ =	shalt  }
0x53: {  	_ =	shalt  }
0x54: {  	_ =	shalt  }
0x55: {  	_ =	shalt  }
0x56: {  	_ =	shalt  }
0x57: {  	_ =	shalt  }
0x58: {  	_ =	shalt  }
0x59: {  	_ =	shalt  }
0x5a: {  	_ =	shalt  }
0x5b: {  	_ =	shalt  }
0x5c: {  	_ =	shalt  }
0x5d: {  	_ =	shalt  }
0x5e: {  	_ =	shalt  }
0x5f: {  	_ =	shalt  }
0x60: {  	_ =	shalt  }
0x61: {  	_ =	shalt  }
0x62: {  	_ =	shalt  }
0x63: {  	_ =	shalt  }
0x64: {  	_ =	shalt  }
0x65: {  	_ =	shalt  }
0x66: {  	_ =	shalt  }
0x67: {  	_ =	shalt  }
0x68: {  	_ =	shalt  }
0x69: {  	_ =	shalt  }
0x6a: {  	_ =	shalt  }
0x6b: {  	_ =	shalt  }
0x6c: {  	_ =	shalt  }
0x6d: {  	_ =	shalt  }
0x6e: {  	_ =	shalt  }
0x6f: {  	_ =	shalt  }
0x70: {  	_ =	shalt  }
0x71: {  	_ =	shalt  }
0x72: {  	_ =	shalt  }
0x73: {  	_ =	shalt  }
0x74: {  	_ =	shalt  }
0x75: {  	_ =	shalt  }
0x76: {  	_ =	shalt  }
0x77: {  	_ =	shalt  }
0x78: {  	_ =	shalt  }
0x79: {  	_ =	shalt  }
0x7a: {  	_ =	shalt  }
0x7b: {  	_ =	shalt  }
0x7c: {  	_ =	shalt  }
0x7d: {  	_ =	shalt  }
0x7e: {  	_ =	shalt  }
0x7f: {  	_ =	shalt  }
0x80: {  	_ =	shalt  }
0x81: {  	_ =	shalt  }
0x82: {  	_ =	shalt  }
0x83: {  	_ =	shalt  }
0x84: {  	_ =	shalt  }
0x85: {  	_ =	shalt  }
0x86: {  	_ =	shalt  }
0x87: {  	_ =	shalt  }
.Lfunc_end0:
.L_simem_size_0:
called_computation.1_lowered:
.L_overlay_start_0:
0x88: {  	s2 =	sld [smem:$0x3FD9]  }
0x89: {  	s3 =	sld [smem:$0x3FFE];
	_ =	sdelay $0x1  }
0x8a: {  	s1 =	srdreg.scid  }
0x8b: {  	s0 =	sand.u32 $0x1, s1  }
0x8c: {  	s14 =	sshll.u32 s0, $0xA;
	s2 =	sadd.s32 s3, s2  }
0x8d: {  	s2 =	sadd.s32 s2, s14  }
0x8e: {  	[smem:$0x3FC0] =	sst s2  }
0x8f: {  	_ = 	snop  }
0x90: {  	s2 =	sld [smem:$0x3FD0];
	_ =	sdelay $0x2  }
0x91: {  	s15 =	simm.s32 $0xA;
	s4 =	simm.s32 $0x10  }
0x92: {  	[smem:s4], [sflag:s15] =	dma.local [hbm:s2], $0x1  }
0x93: {  	_ =	swait.eq [sflag:s15], $0x1  }
0x94: {  	[sflag:s15] =	ssyncset.done $0x0  }
0x95: {  	s16 =	sld [smem:$0x10];
	[sflag:s15] =	ssyncadd.s32 $0xFFFFFFFF  }
0x96: {  	s17 =	sld [smem:$0x11];
	(tm) =	ssettm $0x1  }
0x97: {  	s18 =	sld [smem:$0x3FFB];
	_ =	sdelay $0x3  }
0x98: {  	_ =	strace s18  }
0x99: {  	s4 =	sld [smem:$0x3FFC];
	_ =	sdelay $0x3  }
0x9a: {  	_ =	strace s4  }
0x9b: {  	s4 =	sld [smem:$0x3FFD];
	_ =	sdelay $0x3  }
0x9c: {  	_ =	strace s4  }
0x9d: {  	_ =	strace $0x8FFFFFFF  }
0x9e: {  	s19 =	sld [smem:$0x3FDB];
	_ =	sdelay $0x1  }
0x9f: {  	s5 =	simm.s32 $_scs_section_size  }
0xa0: {  	s6 =	simm.s32 $_size__tile_overlayer_lowered;
	s7 =	simm.s32 $_tile_overlayer_lowered  }
0xa1: {  	s22 =	simm.s32 $0x1BFF;
	s21 =	sshll.u32 s7, $0x1;
	s4 =	sadd.s32 s5, s19  }
0xa2: {  	s8 =	simm.s32 $0x0;
	s20 =	sshll.u32 s6, $0x1;
	s6 =	sadd.s32 s21, s4  }
0xa3: {  	[timem:s8], [sflag:s22] =	dma.local [hbm:s6], s20  }
0xa4: {  	_ =	swait.ge [sflag:s22], s20  }
0xa5: {  	s5 =	ssub.s32 $0x0, s20;
	[sflag:s22] =	ssyncset.done $0x0  }
0xa6: {  	[sflag:s22] =	ssyncadd.s32 s5;
	_ =	sdelay $0x1  }
0xa7: {  	s23 =	simm.s32 $0x1B8B  }
0xa8: {  	_ =	swait.ge [sflag:s23], $0x1  }
0xa9: {  	[sflag:s23] =	ssyncset.done $0x0  }
0xaa: {  	s25 =	simm.s32 $0x1B8E;
	s24 =	sld [smem:$0x3FFE];
	[sflag:s23] =	ssyncadd.s32 $0xFFFFFFFF  }
0xab: {  	s26 =	simm.s32 $execute0_lowered;
	[smem:$0x3FD2] =	sst s25  }
0xac: {  	s6 =	sshll.u32 s26, $0x1;
	_ =	strace $0x80000049;
	[dreg:$0x1] =	wrdreg $0xFFFFFFFF  }
0xad: {  	s28 =	simm.s32 $_size_execute0_lowered;
	s4 =	sadd.s32 s4, s6;
	[dreg:$0x0] =	wrdreg $0x0  }
0xae: {  	s6 =	sshll.u32 s28, $0x1;
	[dreg:$0x2] =	wrdreg s4  }
0xaf: {  	[dreg:$0x3] =	wrdreg s6  }
0xb0: {  	[dreg:$0x4] =	wrdreg $0xC0  }
0xb1: {  	_ =	task [dreg:s8], $0x5FFFF  }
0xb2: {  	[dreg:$0x1] =	wrdreg $0xFFFFFFFF  }
0xb3: {  	[dreg:$0x0] =	wrdreg $0x60  }
0xb4: {  	[dreg:$0x2] =	wrdreg s16  }
0xb5: {  	[dreg:$0x3] =	wrdreg s17  }
0xb6: {  	[dreg:$0x4] =	wrdreg s24  }
0xb7: {  	[dreg:$0x5] =	wrdreg $0xBE000  }
0xb8: {  	[dreg:$0x6] =	wrdreg $0x9  }
0xb9: {  	_ =	task.clear_ibuf [dreg:s8], $0x7FFFF;
	_ =	strace $0x90000049  }
0xba: {  	s29 =	simm.s32 $0x9;
	_ =	strace $0x8000004B  }
0xbb: {  	_ =	swait.ge [sflag:s29], $0x1  }
0xbc: {  	[sflag:s29] =	ssyncadd.s32 $0xFFFFFFFF  }
0xbd: {  	_ =	strace $0x9000004B  }
0xbe: {  	_ =	sfence  }
0xbf: {  	s30 =	sld [smem:$0x0];
	_ =	sdelay $0x2  }
0xc0: {  	s31 =	sshll.u32 s1, $0xD;
	s1 =	sshrl.u32 s1, $0x2  }
0xc1: {  	s3 =	sand.u32 $0x4000, s31;
	s1 =	sadd.s32 s1, s30  }
0xc2: {  	s0 =	sor.u32 s3, s0;
	s1 =	sshll.u32 s1, $0x11  }
0xc3: {  	s0 =	sor.u32 s1, s0  }
0xc4: {  	s0 =	sadd.s32 $0x8F2B, s0  }
0xc5: {  	[sflag:s0] =	ssyncadd.remote.s32 $0x1  }
0xc6: {  	_ =	sfence.sel $0xFFFF  }
0xc7: {  	[dreg:$0x0] =	wrdreg $0xFFFFFFFF;
	(pc) =	sbr.abs _section_cstart, $3  }
0xc8: {  	[dreg:$0x1] =	wrdreg $0xFFFFFFFF  }
0xc9: {  	_ =	task.clear_ibuf [dreg:s8], $0x2FFFF;
	_ =	strace $0x9FFFFFFF  }
0xca: {  	(tm) =	ssettm $0x7FFFFFFF  }
0xcb: {  	_ =	shalt  }
tec
execute0_lowered:
.L_overlay_start_1:
0x0: {  	(tag) =	ssettag $0x1  }
0x1: {  	s1 =	rddreg [dreg:$0x0]  }
0x2: {  	s0 =	rddreg [dreg:$0x1]  }
0x3: {  	s5 =	rddreg [dreg:$0x2]  }
0x4: {  	s3 =	rddreg [dreg:$0x3];
	s4 =	simm.s32 $0x0;
	s6 =	srdreg.scid  }
0x5: {  	s2 =	stileid.u32;
	s19 =	simm.s32 $0x3;
	s20 =	simm.s32 $0x4F00  }
0x6: {  	s21 =	simm.s32 $0x9E00;
	s22 =	simm.s32 $0x80;
	s23 =	simm.s32 $0x1  }
0x7: {  	s24 =	simm.s32 $0xAE00;
	s25 =	simm.s32 $0x2;
	s28 =	simm.s32 $0x9D00  }
0x8: {  	s29 =	simm.s32 $0x9D80;
	s30 =	simm.s32 $0x0;
	s8 =	smul.u32 $0x14000, s2  }
0x9: {  	s6 =	sand.u32 $0x1, s6;
	s7 =	sshll.u32 s2, $0x1;
	s10 =	smul.u32 $0x28000, s2  }
0xa: {  	[smem:$0x7FF] =	sst s4;
	s7 =	sor.u32 s6, s7;
	s9 =	smul.u32 $0x140000, s6  }
0xb: {  	_ =	strace $0x8000004A;
	s6 =	ssub.s32 $0x2, s6;
	s7 =	smul.u32 $0x9E0, s7  }
0xc: {  	s12 =	sshrl.u32 s6, $0x1;
	s26 =	sshrl.u32 s10, $0x2;
	s31 =	sshrl.u32 s8, $0x1  }
0xd: {  	s9 =	sadd.s32 s8, s9;
	s18 =	ssub.s32 s6, s12;
	s16 =	sadd.s32 s26, s3  }
0xe: {  	s26 =	simm.s32 $0x4E80;
	s11 =	sadd.s32 s7, s5;
	s9 =	sshrl.u32 s9, $0x4  }
0xf: {  	s8 =	sadd.s32 $0x1000, s16;
	s10 =	sadd.s32 $0x3000, s16;
	s12 =	sadd.s32 $0x5000, s16  }
0x10: {  	s13 =	sadd.s32 $0x6000, s16;
	s14 =	sadd.s32 $0x7000, s16;
	s15 =	sadd.s32 $0x8000, s16  }
0x11: {  	s18 =	smax.u32 s18, $0x1;
	s17 =	sadd.s32 s9, s5;
	s5 =	sadd.s32 s0, s7  }
0x12: {  	s6 =	sadd.s32 $0x51800, s11;
	s7 =	sadd.s32 s31, s3;
	s9 =	sadd.s32 $0x2000, s16  }
0x13: {  	v0 =	vimm.bf16 $0.0e+00;
	s11 =	sadd.s32 $0x4000, s16;
	s16 =	sadd.s32 $0x9000, s16;
	s17 =	sadd.s32 $0x1800, s17  }
.LBB2_1:
0x14: {  	[tilespmem:s4], [sflag:$0x3] =	stream.linear.gather [hbm4b:s5+s4], $0x4F00, $0x38;
	[tilespmem:$0x15E00] =	vst v63  }
0x15: {  	_ =	swait.ge [sflag:s19], $0x4F00  }
0x16: {  	[sflag:s19] =	ssyncset.done $0x0  }
0x17: {  	[sflag:s19] =	ssyncadd.s32 $0xFFFFB100  }
0x18: {  	[tilespmem:s20], [sflag:$0x3] =	stream.linear.gather [hbm4b:s6+s4], $0x4F00, $0x38;
	[tilespmem:$0x15E00] =	vst v63  }
0x19: {  	_ =	swait.ge [sflag:s19], $0x4F00  }
0x1a: {  	[sflag:s19] =	ssyncset.done $0x0  }
0x1b: {  	s31 =	simm.s32 $0x80;
	s0 =	simm.s32 $0x0;
	[sflag:s19] =	ssyncadd.s32 $0xFFFFB100  }
.LBB2_2:
0x1c: {  	p0 =	sne.s32 s31, $0x3F80;
	[tilespmem:s0+$0x9E00] =	vst v0;
	s2 =	smov.u32 s31;
	s31 =	sadd.s32 $0x80, s31  }
.Ltmp0:
0x1d: {  	[tilespmem:s0+$0x9E10] =	vst v0;
	(pc) =	sbr.rel @p0 .LBB2_2-.Ltmp0, $2  }
0x1e: {  	_ =	sdelay $0x2  }
0x1f: {  	s0 =	sshra.s32 s2, $0x2  }
0x20: {  	[tilespmem:s0+$0x9E00] =	vst v0  }
0x21: {  	[tilespmem:s0+$0x9E10] =	vst v0  }
0x22: {  	[spmem:s7] =	stream.linear.scatter [tilespmem:s21], [sflag:$0x3], $0x1000, $0x38;
	[tilespmem:$0x15E00] =	vst v63  }
0x23: {  	_ =	swait.ge [sflag:s19], $0x1000  }
0x24: {  	[sflag:s19] =	ssyncset.done $0x0  }
0x25: {  	[sflag:s19] =	ssyncadd.s32 $0xFFFFF000  }
0x26: {  	[spmem:s8] =	stream.linear.scatter [tilespmem:s21], [sflag:$0x3], $0x1000, $0x38;
	[tilespmem:$0x15E00] =	vst v63  }
0x27: {  	_ =	swait.ge [sflag:s19], $0x1000  }
0x28: {  	[sflag:s19] =	ssyncset.done $0x0  }
0x29: {  	[sflag:s19] =	ssyncadd.s32 $0xFFFFF000  }
0x2a: {  	[spmem:s9] =	stream.linear.scatter [tilespmem:s21], [sflag:$0x3], $0x1000, $0x38;
	[tilespmem:$0x15E00] =	vst v63  }
0x2b: {  	_ =	swait.ge [sflag:s19], $0x1000  }
0x2c: {  	[sflag:s19] =	ssyncset.done $0x0  }
0x2d: {  	[sflag:s19] =	ssyncadd.s32 $0xFFFFF000  }
0x2e: {  	[spmem:s10] =	stream.linear.scatter [tilespmem:s21], [sflag:$0x3], $0x1000, $0x38;
	[tilespmem:$0x15E00] =	vst v63  }
0x2f: {  	_ =	swait.ge [sflag:s19], $0x1000  }
0x30: {  	[sflag:s19] =	ssyncset.done $0x0  }
0x31: {  	[sflag:s19] =	ssyncadd.s32 $0xFFFFF000  }
0x32: {  	[spmem:s11] =	stream.linear.scatter [tilespmem:s21], [sflag:$0x3], $0x1000, $0x38;
	[tilespmem:$0x15E00] =	vst v63  }
0x33: {  	_ =	swait.ge [sflag:s19], $0x1000  }
0x34: {  	[sflag:s19] =	ssyncset.done $0x0  }
0x35: {  	[sflag:s19] =	ssyncadd.s32 $0xFFFFF000  }
0x36: {  	[spmem:s12] =	stream.linear.scatter [tilespmem:s21], [sflag:$0x3], $0x1000, $0x38;
	[tilespmem:$0x15E00] =	vst v63  }
0x37: {  	_ =	swait.ge [sflag:s19], $0x1000  }
0x38: {  	[sflag:s19] =	ssyncset.done $0x0  }
0x39: {  	[sflag:s19] =	ssyncadd.s32 $0xFFFFF000  }
0x3a: {  	[spmem:s13] =	stream.linear.scatter [tilespmem:s21], [sflag:$0x3], $0x1000, $0x38;
	[tilespmem:$0x15E00] =	vst v63  }
0x3b: {  	_ =	swait.ge [sflag:s19], $0x1000  }
0x3c: {  	[sflag:s19] =	ssyncset.done $0x0  }
0x3d: {  	[sflag:s19] =	ssyncadd.s32 $0xFFFFF000  }
0x3e: {  	[spmem:s14] =	stream.linear.scatter [tilespmem:s21], [sflag:$0x3], $0x1000, $0x38;
	[tilespmem:$0x15E00] =	vst v63  }
0x3f: {  	_ =	swait.ge [sflag:s19], $0x1000  }
0x40: {  	[sflag:s19] =	ssyncset.done $0x0  }
0x41: {  	[sflag:s19] =	ssyncadd.s32 $0xFFFFF000  }
0x42: {  	[spmem:s15] =	stream.linear.scatter [tilespmem:s21], [sflag:$0x3], $0x1000, $0x38;
	[tilespmem:$0x15E00] =	vst v63  }
0x43: {  	_ =	swait.ge [sflag:s19], $0x1000  }
0x44: {  	[sflag:s19] =	ssyncset.done $0x0  }
0x45: {  	[sflag:s19] =	ssyncadd.s32 $0xFFFFF000  }
0x46: {  	[spmem:s16] =	stream.linear.scatter [tilespmem:s21], [sflag:$0x3], $0x1000, $0x38;
	[tilespmem:$0x15E00] =	vst v63  }
0x47: {  	_ =	swait.ge [sflag:s19], $0x1000  }
0x48: {  	[sflag:s19] =	ssyncset.done $0x0  }
0x49: {  	[sflag:s19] =	ssyncadd.s32 $0xFFFFF000  }
0x4a: {  	s2 =	simm.s32 $0x0;
	[bflag:$0x0] =	sbarrier.arrive $0xFFFF  }
0x4b: {  	[tilespmem:s21], [sflag:$0x1] =	stream.indirect.gather [hbm4b:s1+s22], $0x20, s2, s22, $0xb8;
	[tilespmem:$0x15E00] =	vst v63  }
0x4c: {  	_ =	swait.ge [sflag:s23], $0x1000  }
0x4d: {  	[sflag:s23] =	ssyncset.done $0x0  }
0x4e: {  	s2 =	simm.s32 $0x80;
	[sflag:s23] =	ssyncadd.s32 $0xFFFFF000  }
0x4f: {  	[tilespmem:s24], [sflag:$0x2] =	stream.indirect.gather [hbm4b:s1+s22], $0x20, s2, s22, $0xb8;
	[tilespmem:$0x15E00] =	vst v63  }
0x50: {  	s2 =	simm.s32 $0x4F00  }
0x51: {  	[spmem:s3] =	stream.indirect.scatter.add.bf16 [tilespmem:s21], [sflag:$0x3], $0x20, s2, s22, $0xb8;
	[tilespmem:$0x15E00] =	vst v63  }
0x52: {  	_ =	swait.ge [sflag:s19], $0x1000  }
0x53: {  	[sflag:s19] =	ssyncset.done $0x0  }
0x54: {  	[sflag:s19] =	ssyncadd.s32 $0xFFFFF000  }
0x55: {  	_ =	swait.ge [sflag:s25], $0x1000  }
0x56: {  	[sflag:s25] =	ssyncset.done $0x0  }
0x57: {  	s2 =	simm.s32 $0x100;
	[sflag:s25] =	ssyncadd.s32 $0xFFFFF000  }
0x58: {  	[tilespmem:s21], [sflag:$0x1] =	stream.indirect.gather [hbm4b:s1+s22], $0x20, s2, s22, $0xb8;
	[tilespmem:$0x15E00] =	vst v63  }
0x59: {  	s2 =	simm.s32 $0x4F80  }
0x5a: {  	[spmem:s3] =	stream.indirect.scatter.add.bf16 [tilespmem:s24], [sflag:$0x3], $0x20, s2, s22, $0xb8;
	[tilespmem:$0x15E00] =	vst v63  }
0x5b: {  	_ =	swait.ge [sflag:s19], $0x1000  }
0x5c: {  	s31 =	simm.s32 $0x400;
	[sflag:s19] =	ssyncset.done $0x0  }
.LBB2_4:
0x5d: {  	p0 =	sne.s32 s31, $0x13400  }
0x5e: {  	[sflag:s19] =	ssyncadd.s32 $0xFFFFF000;
	s0 =	smov.u32 s31;
	s31 =	sadd.s32 $0x400, s31  }
0x5f: {  	_ = 	snop  }
0x60: {  	_ =	swait.ge [sflag:s23], $0x1000  }
0x61: {  	s0 =	sshra.s32 s0, $0x2;
	[sflag:s23] =	ssyncset.done $0x0  }
0x62: {  	s2 =	sadd.s32 $0x80, s0;
	[sflag:s23] =	ssyncadd.s32 $0xFFFFF000  }
0x63: {  	[tilespmem:s24], [sflag:$0x2] =	stream.indirect.gather [hbm4b:s1+s22], $0x20, s2, s22, $0xb8;
	[tilespmem:$0x15E00] =	vst v63  }
0x64: {  	s2 =	sadd.s32 $0x4F00, s0  }
0x65: {  	[spmem:s3] =	stream.indirect.scatter.add.bf16 [tilespmem:s21], [sflag:$0x3], $0x20, s2, s22, $0xb8;
	[tilespmem:$0x15E00] =	vst v63  }
0x66: {  	_ =	swait.ge [sflag:s19], $0x1000  }
0x67: {  	[sflag:s19] =	ssyncset.done $0x0  }
0x68: {  	[sflag:s19] =	ssyncadd.s32 $0xFFFFF000  }
0x69: {  	_ =	swait.ge [sflag:s25], $0x1000  }
0x6a: {  	[sflag:s25] =	ssyncset.done $0x0  }
0x6b: {  	s2 =	sadd.s32 $0x100, s0;
	[sflag:s25] =	ssyncadd.s32 $0xFFFFF000  }
0x6c: {  	[tilespmem:s21], [sflag:$0x1] =	stream.indirect.gather [hbm4b:s1+s22], $0x20, s2, s22, $0xb8;
	[tilespmem:$0x15E00] =	vst v63  }
.Ltmp1:
0x6d: {  	_ = 	snop;
	(pc) =	sbr.rel @p0 .LBB2_4-.Ltmp1, $4  }
0x6e: {  	s0 =	sadd.s32 $0x4F80, s0  }
0x6f: {  	[spmem:s3] =	stream.indirect.scatter.add.bf16 [tilespmem:s24], [sflag:$0x3], $0x20, s0, s22, $0xb8;
	[tilespmem:$0x15E00] =	vst v63  }
0x70: {  	_ =	swait.ge [sflag:s19], $0x1000  }
0x71: {  	[sflag:s19] =	ssyncset.done $0x0  }
0x72: {  	[sflag:s19] =	ssyncadd.s32 $0xFFFFF000  }
0x73: {  	_ =	swait.ge [sflag:s23], $0x1000  }
0x74: {  	[sflag:s23] =	ssyncset.done $0x0  }
0x75: {  	[sflag:s23] =	ssyncadd.s32 $0xFFFFF000  }
0x76: {  	[tilespmem:s24], [sflag:$0x2] =	stream.indirect.gather [hbm4b:s1+s22], $0x20, s26, s22, $0xb8;
	[tilespmem:$0x15E00] =	vst v63  }
0x77: {  	_ = 	snop  }
0x78: {  	[spmem:s3] =	stream.indirect.scatter.add.bf16 [tilespmem:s21], [sflag:$0x3], $0x20, s28, s22, $0xb8;
	[tilespmem:$0x15E00] =	vst v63  }
0x79: {  	_ =	swait.ge [sflag:s19], $0x1000  }
0x7a: {  	[sflag:s19] =	ssyncset.done $0x0  }
0x7b: {  	[sflag:s19] =	ssyncadd.s32 $0xFFFFF000  }
0x7c: {  	_ =	swait.ge [sflag:s25], $0x1000  }
0x7d: {  	[sflag:s25] =	ssyncset.done $0x0  }
0x7e: {  	[sflag:s25] =	ssyncadd.s32 $0xFFFFF000  }
0x7f: {  	[spmem:s3] =	stream.indirect.scatter.add.bf16 [tilespmem:s24], [sflag:$0x3], $0x20, s29, s22, $0xb8;
	[tilespmem:$0x15E00] =	vst v63  }
0x80: {  	s0 =	stileid.u32;
	_ =	swait.ge [sflag:s19], $0x1000  }
0x81: {  	s2 =	sshrl.u32 s7, $0x3;
	s30 =	sadd.s32 $0x1, s30;
	[sflag:s19] =	ssyncset.done $0x0  }
0x82: {  	s0 =	sshll.u32 s0, $0x6;
	p0 =	sne.s32 s30, s18;
	[sflag:s19] =	ssyncadd.s32 $0xFFFFF000  }
.Ltmp2:
0x83: {  	s0 =	sor.u32 $0x1C03, s0;
	[bflag:$0x0] =	sbarrier.arrive $0xFFFF;
	(pc) =	sbr.rel @p0 .LBB2_1-.Ltmp2, $4  }
0x84: {  	[hbm:s17], [sflag:s0] =	dma.local [spmem:s2], $0x1400  }
0x85: {  	_ =	swait.ge [sflag:s19], $0x1400  }
0x86: {  	[sflag:s19] =	ssyncset.done $0x0  }
0x87: {  	[sflag:s19] =	ssyncadd.s32 $0xFFFFEC00  }
0x88: {  	_ =	sfence.sel $0x180000  }
0x89: {  	[bflag:$0x0] =	sbarrier.arrive $0xFFFF  }
0x8a: {  	_ =	strace $0x9000004A  }
0x8b: {  	s0 =	stileid.u32;
	[bflag:$0x2] =	sbarrier.arrive $0xFFFF  }
0x8c: {  	p0 =	sne.s32 s0, $0x0;
	s0 =	rddreg [dreg:$0x4]  }
0x8d: {  	s0 =	sadd.s32 @!p0 $0x100000, s0  }
0x8e: {  	[sflag:s0] =	ssyncadd.tile.s32 @!p0 $0x1;
	_ =	shalt  }
.Lfunc_end2:
_tile_overlayer_lowered:
.L_overlay_start_2:
0x8f: {  	(tag) =	ssettag $0x2  }
0x90: {  	s0 =	rddreg [dreg:$0x0];
	s2 =	stileid.u32  }
0x91: {  	s1 =	rddreg [dreg:$0x1];
	p0 =	sne.s32 s2, $0x0  }
0x92: {  	s3 =	rddreg [dreg:$0x2];
	[bflag:$0x3] =	sbarrier.arrive $0xFFFF;
	s2 =	simm.s32 @!p0 $0x1C03  }
0x93: {  	[timem:s3], [sflag:s2] =	dma.local @!p0 [hbm:s0], s1  }
0x94: {  	s0 =	simm.s32 @!p0 $0x3  }
0x95: {  	_ =	swait.ge @!p0 [sflag:s0], s1  }
0x96: {  	s1 =	ssub.s32 @!p0 $0x0, s1;
	[sflag:s0] =	ssyncset.done @!p0 $0x0  }
0x97: {  	[sflag:s0] =	ssyncadd.s32 @!p0 s1  }
0x98: {  	[bflag:$0x3] =	sbarrier.arrive $0xFFFF  }
0x99: {  	_ =	shalt  }

// kernel: kernel.7.cloned.1.call-start
scs
__scs_entry_jumppad:
0x0: {  	(pc) =	sbr.rel $0x88, $3  }
0x1: {  	(tag) =	ssettag $0x0;
	lr =	simm.s32 $0x1  }
0x2: {  	[smem:$0x3F99] =	sst lr;
	_ =	strace $0xD0000000  }
0x3: {  	_ = 	snop  }
0x4: {  	_ = 	snop  }
0x5: {  	_ = 	snop  }
0x6: {  	_ = 	snop  }
0x7: {  	_ = 	snop  }
__scs_overlays_trampoline_lowered:
0x8: {  	[smem:$0x3FA8] =	sst s0  }
0x9: {  	[smem:$0x3FA9] =	sst s1  }
0xa: {  	[smem:$0x3FAA] =	sst s2  }
0xb: {  	[smem:$0x3FAB] =	sst s3  }
0xc: {  	[smem:$0x3FAC] =	sst s4  }
0xd: {  	[smem:$0x3FAD] =	sst s5  }
0xe: {  	[smem:$0x3FAE] =	sst s6  }
0xf: {  	[smem:$0x3FAF] =	sst s7  }
0x10: {  	[smem:$0x3FB0] =	sst s8  }
0x11: {  	[smem:$0x3FB1] =	sst s9;
	s0 =	simm.s32 @!p0 $0x0  }
0x12: {  	s1 =	sld [smem:$0x3F97];
	s0 =	simm.s32 @p0 $0x1  }
0x13: {  	[smem:$0x3FB2] =	sst s0;
	s0 =	simm.s32 @!p1 $0x0  }
0x14: {  	s2 =	sld [smem:$0x3F96];
	s0 =	simm.s32 @p1 $0x1  }
0x15: {  	[smem:$0x3FB3] =	sst s0;
	s0 =	simm.s32 @!p2 $0x0  }
0x16: {  	s3 =	sld [smem:$0x3FDB];
	s0 =	simm.s32 @p2 $0x1  }
0x17: {  	s4 =	simm.s32 $0x1BF5;
	[smem:$0x3FB5] =	sst s0  }
0x18: {  	s0 =	sld [smem:$0x3F98];
	_ =	swait.ge [sflag:s4], $0x0  }
0x19: {  	s7 =	sld [smem:$0x3F99]  }
0x1a: {  	s8 =	sadd.s32 $0xFFFFE003, lr  }
0x1b: {  	s9 =	sadd.s32 $0xFFFFFEF7, lr;
	s5 =	simm.s32 $0xFFFFFFFF;
	p2 =	slt.u32 s8, $0xFFFFF086  }
0x1c: {  	p1 =	slt.u32 s9, $0xF7A;
	s5 =	simm.s32 @!p2 $0x0  }
0x1d: {  	s5 =	simm.s32 @p1 $0x1;
	p0 =	seq.s32 s7, s2  }
0x1e: {  	s7 =	smul.u32 @!p0 $0xF7A, s2;
	p2 =	seq.s32 @!p0 s5, $0x0  }
0x1f: {  	s9 =	smul.u32 $0xF7A, s1;
	s8 =	simm.s32 @!p0 $0x1BF5;
	p2 =	por !p2, p0  }
0x20: {  	[sflag:s8] =	ssyncset.s32 @!p0 $0xFFFFF086;
	s6 =	sadd.s32 @!p0 s3, s7;
	s7 =	simm.s32 @!p0 $0x108  }
0x21: {  	s3 =	sadd.s32 s3, s9;
	s6 =	sadd.s32 @!p0 $0x88, s6;
	s7 =	simm.s32 @p2 $0x1082  }
0x22: {  	[simem:s7], [sflag:s8] =	dma.local @!p0 [hbm:s6], $0xF7A  }
0x23: {  	s9 =	sor.u32 $0xD0000000, s2;
	s6 =	simm.s32 $0x108;
	_ =	swait.ge @!p0 [sflag:s8], $0x0  }
0x24: {  	s3 =	sadd.s32 $0x88, s3;
	s6 =	simm.s32 @!p1 $0x1082;
	[sflag:s4] =	ssyncset.s32 $0xFFFFF086  }
0x25: {  	[simem:s6], [sflag:s4] =	dma.local [hbm:s3], $0xF7A  }
0x26: {  	[smem:$0x3F99] =	sst s1;
	(tag) =	ssettag s2;
	_ =	strace s9  }
0x27: {  	s1 =	sld [smem:$0x3FA9]  }
0x28: {  	s2 =	sld [smem:$0x3FAA]  }
0x29: {  	s4 =	sld [smem:$0x3FAC]  }
0x2a: {  	p0 =	seq.s32 s5, $0x0;
	s5 =	sld [smem:$0x3FAD]  }
0x2b: {  	s6 =	sld [smem:$0x3FAE]  }
0x2c: {  	s7 =	sld [smem:$0x3FAF]  }
0x2d: {  	s3 =	simm.s32 $0x108;
	s8 =	sld [smem:$0x3FB0]  }
0x2e: {  	s3 =	simm.s32 @!p0 $0x1082;
	s9 =	sld [smem:$0x3FB1]  }
0x2f: {  	lr =	sadd.s32 s0, s3;
	s0 =	sld [smem:$0x3FA8]  }
0x30: {  	s3 =	sld [smem:$0x3FAB]  }
0x31: {  	[smem:$0x3FB4] =	sst s10  }
0x32: {  	s10 =	sld [smem:$0x3FB2];
	_ =	sdelay $0x3  }
0x33: {  	p0 =	seq.s32 s10, $0x1;
	s10 =	sld [smem:$0x3FB4];
	_ =	sdelay $0x3  }
0x34: {  	[smem:$0x3FB4] =	sst s10  }
0x35: {  	s10 =	sld [smem:$0x3FB3];
	_ =	sdelay $0x3  }
0x36: {  	p1 =	seq.s32 s10, $0x1;
	s10 =	sld [smem:$0x3FB4];
	_ =	sdelay $0x3  }
0x37: {  	[smem:$0x3FB4] =	sst s10  }
0x38: {  	s10 =	sld [smem:$0x3FB5]  }
0x39: {  	_ = 	snop;
	(pc) =	sbr.ind lr, $3  }
0x3a: {  	_ = 	snop  }
0x3b: {  	_ = 	snop  }
0x3c: {  	p2 =	seq.s32 s10, $0x1;
	s10 =	sld [smem:$0x3FB4]  }
0x3d: {  	_ =	shalt  }
0x3e: {  	_ =	shalt  }
0x3f: {  	_ =	shalt  }
0x40: {  	_ =	shalt  }
0x41: {  	_ =	shalt  }
0x42: {  	_ =	shalt  }
0x43: {  	_ =	shalt  }
0x44: {  	_ =	shalt  }
0x45: {  	_ =	shalt  }
0x46: {  	_ =	shalt  }
0x47: {  	_ =	shalt  }
0x48: {  	_ =	shalt  }
0x49: {  	_ =	shalt  }
0x4a: {  	_ =	shalt  }
0x4b: {  	_ =	shalt  }
0x4c: {  	_ =	shalt  }
0x4d: {  	_ =	shalt  }
0x4e: {  	_ =	shalt  }
0x4f: {  	_ =	shalt  }
0x50: {  	_ =	shalt  }
0x51: {  	_ =	shalt  }
0x52: {  	_ =	shalt  }
0x53: {  	_ =	shalt  }
0x54: {  	_ =	shalt  }
0x55: {  	_ =	shalt  }
0x56: {  	_ =	shalt  }
0x57: {  	_ =	shalt  }
0x58: {  	_ =	shalt  }
0x59: {  	_ =	shalt  }
0x5a: {  	_ =	shalt  }
0x5b: {  	_ =	shalt  }
0x5c: {  	_ =	shalt  }
0x5d: {  	_ =	shalt  }
0x5e: {  	_ =	shalt  }
0x5f: {  	_ =	shalt  }
0x60: {  	_ =	shalt  }
0x61: {  	_ =	shalt  }
0x62: {  	_ =	shalt  }
0x63: {  	_ =	shalt  }
0x64: {  	_ =	shalt  }
0x65: {  	_ =	shalt  }
0x66: {  	_ =	shalt  }
0x67: {  	_ =	shalt  }
0x68: {  	_ =	shalt  }
0x69: {  	_ =	shalt  }
0x6a: {  	_ =	shalt  }
0x6b: {  	_ =	shalt  }
0x6c: {  	_ =	shalt  }
0x6d: {  	_ =	shalt  }
0x6e: {  	_ =	shalt  }
0x6f: {  	_ =	shalt  }
0x70: {  	_ =	shalt  }
0x71: {  	_ =	shalt  }
0x72: {  	_ =	shalt  }
0x73: {  	_ =	shalt  }
0x74: {  	_ =	shalt  }
0x75: {  	_ =	shalt  }
0x76: {  	_ =	shalt  }
0x77: {  	_ =	shalt  }
0x78: {  	_ =	shalt  }
0x79: {  	_ =	shalt  }
0x7a: {  	_ =	shalt  }
0x7b: {  	_ =	shalt  }
0x7c: {  	_ =	shalt  }
0x7d: {  	_ =	shalt  }
0x7e: {  	_ =	shalt  }
0x7f: {  	_ =	shalt  }
0x80: {  	_ =	shalt  }
0x81: {  	_ =	shalt  }
0x82: {  	_ =	shalt  }
0x83: {  	_ =	shalt  }
0x84: {  	_ =	shalt  }
0x85: {  	_ =	shalt  }
0x86: {  	_ =	shalt  }
0x87: {  	_ =	shalt  }
.Lfunc_end0:
.L_simem_size_0:
called_computation_lowered:
.L_overlay_start_0:
0x88: {  	s2 =	sld [smem:$0x3FD9]  }
0x89: {  	s3 =	sld [smem:$0x3FFE];
	_ =	sdelay $0x1  }
0x8a: {  	s1 =	srdreg.scid  }
0x8b: {  	s0 =	sand.u32 $0x1, s1  }
0x8c: {  	s14 =	sshll.u32 s0, $0xA;
	s2 =	sadd.s32 s3, s2  }
0x8d: {  	s2 =	sadd.s32 s2, s14  }
0x8e: {  	[smem:$0x3FC0] =	sst s2  }
0x8f: {  	_ = 	snop  }
0x90: {  	s2 =	sld [smem:$0x3FD0];
	_ =	sdelay $0x2  }
0x91: {  	s15 =	simm.s32 $0xA;
	s4 =	simm.s32 $0x10  }
0x92: {  	[smem:s4], [sflag:s15] =	dma.local [hbm:s2], $0x1  }
0x93: {  	_ =	swait.eq [sflag:s15], $0x1  }
0x94: {  	[sflag:s15] =	ssyncset.done $0x0  }
0x95: {  	s16 =	sld [smem:$0x10];
	[sflag:s15] =	ssyncadd.s32 $0xFFFFFFFF  }
0x96: {  	s17 =	sld [smem:$0x11];
	(tm) =	ssettm $0x1  }
0x97: {  	s18 =	sld [smem:$0x3FFB];
	_ =	sdelay $0x3  }
0x98: {  	_ =	strace s18  }
0x99: {  	s4 =	sld [smem:$0x3FFC];
	_ =	sdelay $0x3  }
0x9a: {  	_ =	strace s4  }
0x9b: {  	s4 =	sld [smem:$0x3FFD];
	_ =	sdelay $0x3  }
0x9c: {  	_ =	strace s4  }
0x9d: {  	_ =	strace $0x8FFFFFFF  }
0x9e: {  	s19 =	sld [smem:$0x3FDB];
	_ =	sdelay $0x1  }
0x9f: {  	s5 =	simm.s32 $_scs_section_size  }
0xa0: {  	s6 =	simm.s32 $_size__tile_overlayer_lowered;
	s7 =	simm.s32 $_tile_overlayer_lowered  }
0xa1: {  	s22 =	simm.s32 $0x1BFF;
	s21 =	sshll.u32 s7, $0x1;
	s4 =	sadd.s32 s5, s19  }
0xa2: {  	s8 =	simm.s32 $0x0;
	s20 =	sshll.u32 s6, $0x1;
	s6 =	sadd.s32 s21, s4  }
0xa3: {  	[timem:s8], [sflag:s22] =	dma.local [hbm:s6], s20  }
0xa4: {  	_ =	swait.ge [sflag:s22], s20  }
0xa5: {  	s5 =	ssub.s32 $0x0, s20;
	[sflag:s22] =	ssyncset.done $0x0  }
0xa6: {  	[sflag:s22] =	ssyncadd.s32 s5;
	_ =	sdelay $0x1  }
0xa7: {  	s23 =	simm.s32 $0x1B8B  }
0xa8: {  	_ =	swait.ge [sflag:s23], $0x1  }
0xa9: {  	[sflag:s23] =	ssyncset.done $0x0  }
0xaa: {  	s25 =	simm.s32 $0x1B8E;
	s24 =	sld [smem:$0x3FFE];
	[sflag:s23] =	ssyncadd.s32 $0xFFFFFFFF  }
0xab: {  	s26 =	simm.s32 $execute0_lowered;
	[smem:$0x3FD2] =	sst s25  }
0xac: {  	s6 =	sshll.u32 s26, $0x1;
	_ =	strace $0x80000046;
	[dreg:$0x1] =	wrdreg $0xFFFFFFFF  }
0xad: {  	s28 =	simm.s32 $_size_execute0_lowered;
	s4 =	sadd.s32 s4, s6;
	[dreg:$0x0] =	wrdreg $0x0  }
0xae: {  	s6 =	sshll.u32 s28, $0x1;
	[dreg:$0x2] =	wrdreg s4  }
0xaf: {  	[dreg:$0x3] =	wrdreg s6  }
0xb0: {  	[dreg:$0x4] =	wrdreg $0xC0  }
0xb1: {  	_ =	task [dreg:s8], $0x5FFFF  }
0xb2: {  	[dreg:$0x1] =	wrdreg $0xFFFFFFFF  }
0xb3: {  	[dreg:$0x0] =	wrdreg $0x60  }
0xb4: {  	[dreg:$0x2] =	wrdreg s16  }
0xb5: {  	[dreg:$0x3] =	wrdreg s17  }
0xb6: {  	[dreg:$0x4] =	wrdreg s24  }
0xb7: {  	[dreg:$0x5] =	wrdreg $0xBE000  }
0xb8: {  	[dreg:$0x6] =	wrdreg $0x15E800  }
0xb9: {  	[dreg:$0x7] =	wrdreg $0x9  }
0xba: {  	_ =	task.clear_ibuf [dreg:s8], $0x8FFFF;
	_ =	strace $0x90000046  }
0xbb: {  	s29 =	simm.s32 $0x9;
	_ =	strace $0x80000048  }
0xbc: {  	_ =	swait.ge [sflag:s29], $0x1  }
0xbd: {  	[sflag:s29] =	ssyncadd.s32 $0xFFFFFFFF  }
0xbe: {  	_ =	strace $0x90000048  }
0xbf: {  	_ =	sfence  }
0xc0: {  	s30 =	sld [smem:$0x0];
	_ =	sdelay $0x2  }
0xc1: {  	s31 =	sshll.u32 s1, $0xD;
	s1 =	sshrl.u32 s1, $0x2  }
0xc2: {  	s3 =	sand.u32 $0x4000, s31;
	s1 =	sadd.s32 s1, s30  }
0xc3: {  	s0 =	sor.u32 s3, s0;
	s1 =	sshll.u32 s1, $0x11  }
0xc4: {  	s0 =	sor.u32 s1, s0  }
0xc5: {  	s0 =	sadd.s32 $0x8F2B, s0  }
0xc6: {  	[sflag:s0] =	ssyncadd.remote.s32 $0x1  }
0xc7: {  	_ =	sfence.sel $0xFFFF  }
0xc8: {  	[dreg:$0x0] =	wrdreg $0xFFFFFFFF;
	(pc) =	sbr.abs _section_cstart, $3  }
0xc9: {  	[dreg:$0x1] =	wrdreg $0xFFFFFFFF  }
0xca: {  	_ =	task.clear_ibuf [dreg:s8], $0x2FFFF;
	_ =	strace $0x9FFFFFFF  }
0xcb: {  	(tm) =	ssettm $0x7FFFFFFF  }
tec
execute0_lowered:
.L_overlay_start_1:
0x0: {  	(tag) =	ssettag $0x1  }
0x1: {  	s1 =	rddreg [dreg:$0x0]  }
0x2: {  	s5 =	rddreg [dreg:$0x1]  }
0x3: {  	s0 =	srdreg.scid;
	s6 =	rddreg [dreg:$0x2]  }
0x4: {  	s9 =	stileid.u32;
	s3 =	rddreg [dreg:$0x3]  }
0x5: {  	s4 =	rddreg [dreg:$0x4];
	s10 =	simm.s32 $0x0;
	s7 =	smul.u32 $0x14000, s9  }
0x6: {  	s0 =	sand.u32 $0x1, s0;
	s2 =	sshll.u32 s9, $0x1;
	s9 =	smul.u32 $0x500, s9  }
0x7: {  	[smem:$0x7FF] =	sst s10;
	s8 =	smul.u32 $0x140000, s0  }
0x8: {  	s2 =	sor.u32 s0, s2;
	s15 =	smul.u32 $0x5000, s0;
	s0 =	ssub.s32 $0x2, s0  }
0x9: {  	_ =	strace $0x80000047;
	s2 =	smul.u32 $0x9E0, s2;
	s16 =	sshrl.u32 s0, $0x1  }
0xa: {  	s17 =	sshrl.u32 s7, $0x1;
	s23 =	sadd.s32 $0x200, s9;
	s13 =	sadd.s32 $0x280, s9  }
0xb: {  	s14 =	sadd.s32 $0x300, s9;
	s28 =	sadd.s32 $0x480, s9;
	s8 =	sadd.s32 s7, s8  }
0xc: {  	s10 =	sadd.s32 s9, s15;
	s0 =	ssub.s32 s0, s16;
	s7 =	sadd.s32 $0x100, s9  }
0xd: {  	s25 =	sshll.u32 s23, $0x5;
	s26 =	sshll.u32 s13, $0x5;
	s15 =	sshll.u32 s14, $0x5  }
0xe: {  	s16 =	sadd.s32 $0x380, s9;
	s11 =	sadd.s32 s2, s6;
	s8 =	sshrl.u32 s8, $0x4  }
0xf: {  	s10 =	sshrl.u32 s10, $0x3;
	s2 =	sadd.s32 s5, s2;
	s20 =	sshll.u32 s7, $0x5  }
0x10: {  	s15 =	sadd.s32 s15, s3;
	s24 =	sshll.u32 s16, $0x5;
	s31 =	smax.u32 s0, $0x1  }
0x11: {  	s0 =	simm.s32 $0x9E00;
	s12 =	sadd.s32 s8, s6;
	s6 =	sadd.s32 s10, s6  }
0x12: {  	[dreg:$0x6] =	wrdreg s2;
	s18 =	sadd.s32 $0x51800, s11;
	s8 =	sadd.s32 s17, s3  }
0x13: {  	s2 =	sor.u32 $0x80, s9;
	s10 =	sadd.s32 $0x180, s9;
	s11 =	sadd.s32 s25, s3  }
0x14: {  	[dreg:$0xd] =	wrdreg s15;
	s15 =	sadd.s32 s24, s3;
	s17 =	sshll.u32 s28, $0x5  }
0x15: {  	s24 =	sadd.s32 s14, s4;
	s28 =	sadd.s32 s28, s4;
	[dreg:$0x7] =	wrdreg s18  }
0x16: {  	s19 =	sshll.u32 s2, $0x5;
	s21 =	sshll.u32 s10, $0x5;
	[dreg:$0xb] =	wrdreg s11  }
0x17: {  	s11 =	sadd.s32 s26, s3;
	s26 =	sadd.s32 $0x400, s9;
	[dreg:$0xe] =	wrdreg s15  }
0x18: {  	s17 =	sadd.s32 s17, s3;
	s18 =	sadd.s32 s9, s4;
	s29 =	sadd.s32 $0x65400, s12  }
0x19: {  	s30 =	sadd.s32 $0x8D400, s6;
	s6 =	simm.s32 $0x80;
	s9 =	simm.s32 $0xAE00  }
0x1a: {  	s12 =	simm.s32 $0x9D80;
	s5 =	sadd.s32 s19, s3;
	s22 =	sadd.s32 s21, s3  }
0x1b: {  	[dreg:$0xc] =	wrdreg s11;
	s25 =	sshll.u32 s26, $0x5;
	s19 =	sadd.s32 s2, s4  }
0x1c: {  	s21 =	sadd.s32 s10, s4;
	s26 =	sadd.s32 s26, s4;
	s2 =	simm.s32 $0x3  }
0x1d: {  	s10 =	simm.s32 $0x2;
	s11 =	simm.s32 $0x9D00;
	[dreg:$0x8] =	wrdreg s5  }
0x1e: {  	s5 =	sadd.s32 s20, s3;
	[dreg:$0xa] =	wrdreg s22;
	s15 =	sadd.s32 s25, s3  }
0x1f: {  	s20 =	sadd.s32 s7, s4;
	s22 =	sadd.s32 s23, s4;
	s23 =	sadd.s32 s13, s4  }
0x20: {  	s25 =	sadd.s32 s16, s4;
	s7 =	simm.s32 $0x1;
	[dreg:$0x9] =	wrdreg s5  }
0x21: {  	v0 =	vimm.bf16 $0.0e+00;
	v1 =	vimm.f32 $0.0e+00;
	v2 =	vimm.f32 $1.000000000e+00;
	s13 =	simm.s32 $0x0;
	[dreg:$0xf] =	wrdreg s15;
	s5 =	simm.s32 $0x15E00  }
.LBB2_1:
0x22: {  	s14 =	simm.s32 $0x0;
	s15 =	rddreg [dreg:$0x6]  }
0x23: {  	[tilespmem:s14], [sflag:$0x3] =	stream.linear.gather [hbm4b:s15+s14], $0x4F00, $0x38;
	[tilespmem:$0x16380] =	vst v63  }
0x24: {  	_ =	swait.ge [sflag:s2], $0x4F00  }
0x25: {  	[sflag:s2] =	ssyncset.done $0x0  }
0x26: {  	s16 =	simm.s32 $0x4F00;
	s15 =	rddreg [dreg:$0x7];
	[sflag:s2] =	ssyncadd.s32 $0xFFFFB100  }
0x27: {  	[tilespmem:s16], [sflag:$0x3] =	stream.linear.gather [hbm4b:s15+s14], $0x4F00, $0x38;
	[tilespmem:$0x16380] =	vst v63  }
0x28: {  	_ =	swait.ge [sflag:s2], $0x4F00  }
0x29: {  	[sflag:s2] =	ssyncset.done $0x0  }
0x2a: {  	s14 =	simm.s32 $0x80;
	s15 =	simm.s32 $0x0;
	[sflag:s2] =	ssyncadd.s32 $0xFFFFB100  }
.LBB2_2:
0x2b: {  	p0 =	sne.s32 s14, $0x3F80;
	[tilespmem:s15+$0x9E00] =	vst v0;
	s16 =	smov.u32 s14;
	s14 =	sadd.s32 $0x80, s14  }
.Ltmp0:
0x2c: {  	[tilespmem:s15+$0x9E10] =	vst v0;
	(pc) =	sbr.rel @p0 .LBB2_2-.Ltmp0, $2  }
0x2d: {  	_ =	sdelay $0x2  }
0x2e: {  	s15 =	sshra.s32 s16, $0x2  }
0x2f: {  	[tilespmem:s15+$0x9E00] =	vst v0  }
0x30: {  	[tilespmem:s15+$0x9E10] =	vst v0  }
0x31: {  	[spmem:s8] =	stream.linear.scatter [tilespmem:s0], [sflag:$0x3], $0x1000, $0x38;
	[tilespmem:$0x16380] =	vst v63  }
0x32: {  	_ =	swait.ge [sflag:s2], $0x1000  }
0x33: {  	[sflag:s2] =	ssyncset.done $0x0  }
0x34: {  	s14 =	rddreg [dreg:$0x8];
	[sflag:s2] =	ssyncadd.s32 $0xFFFFF000  }
0x35: {  	[spmem:s14] =	stream.linear.scatter [tilespmem:s0], [sflag:$0x3], $0x1000, $0x38;
	[tilespmem:$0x16380] =	vst v63  }
0x36: {  	_ =	swait.ge [sflag:s2], $0x1000  }
0x37: {  	[sflag:s2] =	ssyncset.done $0x0  }
0x38: {  	s15 =	rddreg [dreg:$0x9];
	[sflag:s2] =	ssyncadd.s32 $0xFFFFF000  }
0x39: {  	[spmem:s15] =	stream.linear.scatter [tilespmem:s0], [sflag:$0x3], $0x1000, $0x38;
	[tilespmem:$0x16380] =	vst v63  }
0x3a: {  	_ =	swait.ge [sflag:s2], $0x1000  }
0x3b: {  	[sflag:s2] =	ssyncset.done $0x0  }
0x3c: {  	s16 =	rddreg [dreg:$0xa];
	[sflag:s2] =	ssyncadd.s32 $0xFFFFF000  }
0x3d: {  	[spmem:s16] =	stream.linear.scatter [tilespmem:s0], [sflag:$0x3], $0x1000, $0x38;
	[tilespmem:$0x16380] =	vst v63  }
0x3e: {  	_ =	swait.ge [sflag:s2], $0x1000  }
0x3f: {  	[sflag:s2] =	ssyncset.done $0x0  }
0x40: {  	s15 =	rddreg [dreg:$0xb];
	[sflag:s2] =	ssyncadd.s32 $0xFFFFF000  }
0x41: {  	[spmem:s15] =	stream.linear.scatter [tilespmem:s0], [sflag:$0x3], $0x1000, $0x38;
	[tilespmem:$0x16380] =	vst v63  }
0x42: {  	_ =	swait.ge [sflag:s2], $0x1000  }
0x43: {  	[sflag:s2] =	ssyncset.done $0x0  }
0x44: {  	s16 =	rddreg [dreg:$0xc];
	[sflag:s2] =	ssyncadd.s32 $0xFFFFF000  }
0x45: {  	[spmem:s16] =	stream.linear.scatter [tilespmem:s0], [sflag:$0x3], $0x1000, $0x38;
	[tilespmem:$0x16380] =	vst v63  }
0x46: {  	_ =	swait.ge [sflag:s2], $0x1000  }
0x47: {  	[sflag:s2] =	ssyncset.done $0x0  }
0x48: {  	s15 =	rddreg [dreg:$0xd];
	[sflag:s2] =	ssyncadd.s32 $0xFFFFF000  }
0x49: {  	[spmem:s15] =	stream.linear.scatter [tilespmem:s0], [sflag:$0x3], $0x1000, $0x38;
	[tilespmem:$0x16380] =	vst v63  }
0x4a: {  	_ =	swait.ge [sflag:s2], $0x1000  }
0x4b: {  	[sflag:s2] =	ssyncset.done $0x0  }
0x4c: {  	s16 =	rddreg [dreg:$0xe];
	[sflag:s2] =	ssyncadd.s32 $0xFFFFF000  }
0x4d: {  	[spmem:s16] =	stream.linear.scatter [tilespmem:s0], [sflag:$0x3], $0x1000, $0x38;
	[tilespmem:$0x16380] =	vst v63  }
0x4e: {  	_ =	swait.ge [sflag:s2], $0x1000  }
0x4f: {  	[sflag:s2] =	ssyncset.done $0x0  }
0x50: {  	s15 =	rddreg [dreg:$0xf];
	[sflag:s2] =	ssyncadd.s32 $0xFFFFF000  }
0x51: {  	[spmem:s15] =	stream.linear.scatter [tilespmem:s0], [sflag:$0x3], $0x1000, $0x38;
	[tilespmem:$0x16380] =	vst v63  }
0x52: {  	_ =	swait.ge [sflag:s2], $0x1000  }
0x53: {  	[sflag:s2] =	ssyncset.done $0x0  }
0x54: {  	[sflag:s2] =	ssyncadd.s32 $0xFFFFF000  }
0x55: {  	[spmem:s17] =	stream.linear.scatter [tilespmem:s0], [sflag:$0x3], $0x1000, $0x38;
	[tilespmem:$0x16380] =	vst v63  }
0x56: {  	_ =	swait.ge [sflag:s2], $0x1000  }
0x57: {  	[sflag:s2] =	ssyncset.done $0x0  }
0x58: {  	[sflag:s2] =	ssyncadd.s32 $0xFFFFF000  }
0x59: {  	[tilespmem:$0x15E00] =	vst v1  }
0x5a: {  	[tilespmem:$0x15E10] =	vst v1  }
0x5b: {  	[tilespmem:$0x15E20] =	vst v1  }
0x5c: {  	[tilespmem:$0x15E30] =	vst v1  }
0x5d: {  	[tilespmem:$0x15E40] =	vst v1  }
0x5e: {  	[tilespmem:$0x15E50] =	vst v1  }
0x5f: {  	[tilespmem:$0x15E60] =	vst v1  }
0x60: {  	[tilespmem:$0x15E70] =	vst v1  }
0x61: {  	[spmem:s18] =	stream.linear.scatter [tilespmem:s5], [sflag:$0x3], $0x80, $0x38;
	[tilespmem:$0x16380] =	vst v63  }
0x62: {  	_ =	swait.ge [sflag:s2], $0x80  }
0x63: {  	[sflag:s2] =	ssyncset.done $0x0  }
0x64: {  	[sflag:s2] =	ssyncadd.s32 $0xFFFFFF80  }
0x65: {  	[spmem:s19] =	stream.linear.scatter [tilespmem:s5], [sflag:$0x3], $0x80, $0x38;
	[tilespmem:$0x16380] =	vst v63  }
0x66: {  	_ =	swait.ge [sflag:s2], $0x80  }
0x67: {  	[sflag:s2] =	ssyncset.done $0x0  }
0x68: {  	[sflag:s2] =	ssyncadd.s32 $0xFFFFFF80  }
0x69: {  	[spmem:s20] =	stream.linear.scatter [tilespmem:s5], [sflag:$0x3], $0x80, $0x38;
	[tilespmem:$0x16380] =	vst v63  }
0x6a: {  	_ =	swait.ge [sflag:s2], $0x80  }
0x6b: {  	[sflag:s2] =	ssyncset.done $0x0  }
0x6c: {  	[sflag:s2] =	ssyncadd.s32 $0xFFFFFF80  }
0x6d: {  	[spmem:s21] =	stream.linear.scatter [tilespmem:s5], [sflag:$0x3], $0x80, $0x38;
	[tilespmem:$0x16380] =	vst v63  }
0x6e: {  	_ =	swait.ge [sflag:s2], $0x80  }
0x6f: {  	[sflag:s2] =	ssyncset.done $0x0  }
0x70: {  	[sflag:s2] =	ssyncadd.s32 $0xFFFFFF80  }
0x71: {  	[spmem:s22] =	stream.linear.scatter [tilespmem:s5], [sflag:$0x3], $0x80, $0x38;
	[tilespmem:$0x16380] =	vst v63  }
0x72: {  	_ =	swait.ge [sflag:s2], $0x80  }
0x73: {  	[sflag:s2] =	ssyncset.done $0x0  }
0x74: {  	[sflag:s2] =	ssyncadd.s32 $0xFFFFFF80  }
0x75: {  	[spmem:s23] =	stream.linear.scatter [tilespmem:s5], [sflag:$0x3], $0x80, $0x38;
	[tilespmem:$0x16380] =	vst v63  }
0x76: {  	_ =	swait.ge [sflag:s2], $0x80  }
0x77: {  	[sflag:s2] =	ssyncset.done $0x0  }
0x78: {  	[sflag:s2] =	ssyncadd.s32 $0xFFFFFF80  }
0x79: {  	[spmem:s24] =	stream.linear.scatter [tilespmem:s5], [sflag:$0x3], $0x80, $0x38;
	[tilespmem:$0x16380] =	vst v63  }
0x7a: {  	_ =	swait.ge [sflag:s2], $0x80  }
0x7b: {  	[sflag:s2] =	ssyncset.done $0x0  }
0x7c: {  	[sflag:s2] =	ssyncadd.s32 $0xFFFFFF80  }
0x7d: {  	[spmem:s25] =	stream.linear.scatter [tilespmem:s5], [sflag:$0x3], $0x80, $0x38;
	[tilespmem:$0x16380] =	vst v63  }
0x7e: {  	_ =	swait.ge [sflag:s2], $0x80  }
0x7f: {  	[sflag:s2] =	ssyncset.done $0x0  }
0x80: {  	[sflag:s2] =	ssyncadd.s32 $0xFFFFFF80  }
0x81: {  	[spmem:s26] =	stream.linear.scatter [tilespmem:s5], [sflag:$0x3], $0x80, $0x38;
	[tilespmem:$0x16380] =	vst v63  }
0x82: {  	_ =	swait.ge [sflag:s2], $0x80  }
0x83: {  	[sflag:s2] =	ssyncset.done $0x0  }
0x84: {  	[sflag:s2] =	ssyncadd.s32 $0xFFFFFF80  }
0x85: {  	[spmem:s28] =	stream.linear.scatter [tilespmem:s5], [sflag:$0x3], $0x80, $0x38;
	[tilespmem:$0x16380] =	vst v63  }
0x86: {  	_ =	swait.ge [sflag:s2], $0x80  }
0x87: {  	[sflag:s2] =	ssyncset.done $0x0  }
0x88: {  	[sflag:s2] =	ssyncadd.s32 $0xFFFFFF80  }
0x89: {  	[tilespmem:$0x15E00] =	vst v2  }
0x8a: {  	[tilespmem:$0x15E10] =	vst v2  }
0x8b: {  	[tilespmem:$0x15E20] =	vst v2  }
0x8c: {  	[tilespmem:$0x15E30] =	vst v2  }
0x8d: {  	[tilespmem:$0x15E40] =	vst v2  }
0x8e: {  	[tilespmem:$0x15E50] =	vst v2  }
0x8f: {  	[tilespmem:$0x15E60] =	vst v2  }
0x90: {  	[tilespmem:$0x15E70] =	vst v2  }
0x91: {  	s16 =	simm.s32 $0x0;
	[bflag:$0x0] =	sbarrier.arrive $0xFFFF  }
0x92: {  	[tilespmem:s0], [sflag:$0x1] =	stream.indirect.gather [hbm4b:s1+s6], $0x20, s16, s6, $0xb8;
	[tilespmem:$0x16380] =	vst v63  }
0x93: {  	_ =	swait.ge [sflag:s7], $0x1000  }
0x94: {  	[sflag:s7] =	ssyncset.done $0x0  }
0x95: {  	s15 =	simm.s32 $0x80;
	[sflag:s7] =	ssyncadd.s32 $0xFFFFF000  }
0x96: {  	[tilespmem:s9], [sflag:$0x2] =	stream.indirect.gather [hbm4b:s1+s6], $0x20, s15, s6, $0xb8;
	[tilespmem:$0x16380] =	vst v63  }
0x97: {  	s16 =	simm.s32 $0x4F00  }
0x98: {  	[spmem:s3] =	stream.indirect.scatter.add.bf16 [tilespmem:s0], [sflag:$0x3], $0x20, s16, s6, $0xb8;
	[tilespmem:$0x16380] =	vst v63  }
0x99: {  	_ =	swait.ge [sflag:s2], $0x1000  }
0x9a: {  	[sflag:s2] =	ssyncset.done $0x0  }
0x9b: {  	[sflag:s2] =	ssyncadd.s32 $0xFFFFF000  }
0x9c: {  	[spmem:s4] =	stream.indirect.scatter.add.f32 [tilespmem:s5], [sflag:$0x3], $0x1, s16, s6, $0xb8;
	[tilespmem:$0x16380] =	vst v63  }
0x9d: {  	_ =	swait.ge [sflag:s2], $0x80  }
0x9e: {  	[sflag:s2] =	ssyncset.done $0x0  }
0x9f: {  	[sflag:s2] =	ssyncadd.s32 $0xFFFFFF80  }
0xa0: {  	_ =	swait.ge [sflag:s10], $0x1000  }
0xa1: {  	[sflag:s10] =	ssyncset.done $0x0  }
0xa2: {  	s15 =	simm.s32 $0x100;
	[sflag:s10] =	ssyncadd.s32 $0xFFFFF000  }
0xa3: {  	[tilespmem:s0], [sflag:$0x1] =	stream.indirect.gather [hbm4b:s1+s6], $0x20, s15, s6, $0xb8;
	[tilespmem:$0x16380] =	vst v63  }
0xa4: {  	s16 =	simm.s32 $0x4F80  }
0xa5: {  	[spmem:s3] =	stream.indirect.scatter.add.bf16 [tilespmem:s9], [sflag:$0x3], $0x20, s16, s6, $0xb8;
	[tilespmem:$0x16380] =	vst v63  }
0xa6: {  	_ =	swait.ge [sflag:s2], $0x1000  }
0xa7: {  	[sflag:s2] =	ssyncset.done $0x0  }
0xa8: {  	[sflag:s2] =	ssyncadd.s32 $0xFFFFF000  }
0xa9: {  	[spmem:s4] =	stream.indirect.scatter.add.f32 [tilespmem:s5], [sflag:$0x3], $0x1, s16, s6, $0xb8;
	[tilespmem:$0x16380] =	vst v63  }
0xaa: {  	_ =	swait.ge [sflag:s2], $0x80  }
0xab: {  	s14 =	simm.s32 $0x400;
	[sflag:s2] =	ssyncset.done $0x0  }
.LBB2_4:
0xac: {  	p0 =	sne.s32 s14, $0x13400  }
0xad: {  	[sflag:s2] =	ssyncadd.s32 $0xFFFFFF80;
	s15 =	smov.u32 s14;
	s14 =	sadd.s32 $0x400, s14  }
0xae: {  	_ =	swait.ge [sflag:s7], $0x1000  }
0xaf: {  	s15 =	sshra.s32 s15, $0x2;
	[sflag:s7] =	ssyncset.done $0x0  }
0xb0: {  	s16 =	sadd.s32 $0x80, s15;
	[sflag:s7] =	ssyncadd.s32 $0xFFFFF000  }
0xb1: {  	[tilespmem:s9], [sflag:$0x2] =	stream.indirect.gather [hbm4b:s1+s6], $0x20, s16, s6, $0xb8;
	[tilespmem:$0x16380] =	vst v63  }
0xb2: {  	s16 =	sadd.s32 $0x4F00, s15  }
0xb3: {  	[spmem:s3] =	stream.indirect.scatter.add.bf16 [tilespmem:s0], [sflag:$0x3], $0x20, s16, s6, $0xb8;
	[tilespmem:$0x16380] =	vst v63  }
0xb4: {  	_ =	swait.ge [sflag:s2], $0x1000  }
0xb5: {  	[sflag:s2] =	ssyncset.done $0x0  }
0xb6: {  	[sflag:s2] =	ssyncadd.s32 $0xFFFFF000  }
0xb7: {  	[spmem:s4] =	stream.indirect.scatter.add.f32 [tilespmem:s5], [sflag:$0x3], $0x1, s16, s6, $0xb8;
	[tilespmem:$0x16380] =	vst v63  }
0xb8: {  	_ =	swait.ge [sflag:s2], $0x80  }
0xb9: {  	[sflag:s2] =	ssyncset.done $0x0  }
0xba: {  	[sflag:s2] =	ssyncadd.s32 $0xFFFFFF80  }
0xbb: {  	_ =	swait.ge [sflag:s10], $0x1000  }
0xbc: {  	[sflag:s10] =	ssyncset.done $0x0  }
0xbd: {  	s16 =	sadd.s32 $0x100, s15;
	[sflag:s10] =	ssyncadd.s32 $0xFFFFF000  }
0xbe: {  	[tilespmem:s0], [sflag:$0x1] =	stream.indirect.gather [hbm4b:s1+s6], $0x20, s16, s6, $0xb8;
	[tilespmem:$0x16380] =	vst v63  }
0xbf: {  	s15 =	sadd.s32 $0x4F80, s15  }
0xc0: {  	[spmem:s3] =	stream.indirect.scatter.add.bf16 [tilespmem:s9], [sflag:$0x3], $0x20, s15, s6, $0xb8;
	[tilespmem:$0x16380] =	vst v63  }
0xc1: {  	_ =	swait.ge [sflag:s2], $0x1000  }
.Ltmp1:
0xc2: {  	[sflag:s2] =	ssyncset.done $0x0;
	(pc) =	sbr.rel @p0 .LBB2_4-.Ltmp1, $4  }
0xc3: {  	[sflag:s2] =	ssyncadd.s32 $0xFFFFF000  }
0xc4: {  	[spmem:s4] =	stream.indirect.scatter.add.f32 [tilespmem:s5], [sflag:$0x3], $0x1, s15, s6, $0xb8;
	[tilespmem:$0x16380] =	vst v63  }
0xc5: {  	_ =	swait.ge [sflag:s2], $0x80  }
0xc6: {  	[sflag:s2] =	ssyncset.done $0x0  }
0xc7: {  	[sflag:s2] =	ssyncadd.s32 $0xFFFFFF80  }
0xc8: {  	_ =	swait.ge [sflag:s7], $0x1000  }
0xc9: {  	[sflag:s7] =	ssyncset.done $0x0  }
0xca: {  	s14 =	simm.s32 $0x4E80;
	[sflag:s7] =	ssyncadd.s32 $0xFFFFF000  }
0xcb: {  	[tilespmem:s9], [sflag:$0x2] =	stream.indirect.gather [hbm4b:s1+s6], $0x20, s14, s6, $0xb8;
	[tilespmem:$0x16380] =	vst v63  }
0xcc: {  	_ = 	snop  }
0xcd: {  	[spmem:s3] =	stream.indirect.scatter.add.bf16 [tilespmem:s0], [sflag:$0x3], $0x20, s11, s6, $0xb8;
	[tilespmem:$0x16380] =	vst v63  }
0xce: {  	_ =	swait.ge [sflag:s2], $0x1000  }
0xcf: {  	[sflag:s2] =	ssyncset.done $0x0  }
0xd0: {  	[sflag:s2] =	ssyncadd.s32 $0xFFFFF000  }
0xd1: {  	[spmem:s4] =	stream.indirect.scatter.add.f32 [tilespmem:s5], [sflag:$0x3], $0x1, s11, s6, $0xb8;
	[tilespmem:$0x16380] =	vst v63  }
0xd2: {  	_ =	swait.ge [sflag:s2], $0x80  }
0xd3: {  	[sflag:s2] =	ssyncset.done $0x0  }
0xd4: {  	[sflag:s2] =	ssyncadd.s32 $0xFFFFFF80  }
0xd5: {  	_ =	swait.ge [sflag:s10], $0x1000  }
0xd6: {  	[sflag:s10] =	ssyncset.done $0x0  }
0xd7: {  	[sflag:s10] =	ssyncadd.s32 $0xFFFFF000  }
0xd8: {  	[spmem:s3] =	stream.indirect.scatter.add.bf16 [tilespmem:s9], [sflag:$0x3], $0x20, s12, s6, $0xb8;
	[tilespmem:$0x16380] =	vst v63  }
0xd9: {  	_ =	swait.ge [sflag:s2], $0x1000  }
0xda: {  	[sflag:s2] =	ssyncset.done $0x0  }
0xdb: {  	[sflag:s2] =	ssyncadd.s32 $0xFFFFF000  }
0xdc: {  	[spmem:s4] =	stream.indirect.scatter.add.f32 [tilespmem:s5], [sflag:$0x3], $0x1, s12, s6, $0xb8;
	[tilespmem:$0x16380] =	vst v63  }
0xdd: {  	_ =	swait.ge [sflag:s2], $0x80  }
0xde: {  	s15 =	stileid.u32;
	[sflag:s2] =	ssyncset.done $0x0  }
0xdf: {  	s14 =	sshll.u32 s15, $0x6;
	[sflag:s2] =	ssyncadd.s32 $0xFFFFFF80  }
0xe0: {  	s15 =	sshrl.u32 s8, $0x3;
	s14 =	sor.u32 $0x1C03, s14;
	[bflag:$0x0] =	sbarrier.arrive $0xFFFF  }
0xe1: {  	[hbm:s29], [sflag:s14] =	dma.local [spmem:s15], $0x1400  }
0xe2: {  	s13 =	sadd.s32 $0x1, s13;
	_ =	swait.ge [sflag:s2], $0x1400  }
0xe3: {  	p0 =	sne.s32 s13, s31;
	[sflag:s2] =	ssyncset.done $0x0  }
.Ltmp2:
0xe4: {  	s16 =	sshrl.u32 s18, $0x3;
	[sflag:s2] =	ssyncadd.s32 $0xFFFFEC00;
	(pc) =	sbr.rel @p0 .LBB2_1-.Ltmp2, $4  }
0xe5: {  	[hbm:s30], [sflag:s14] =	dma.local [spmem:s16], $0xA0  }
0xe6: {  	_ =	swait.ge [sflag:s2], $0xA0  }
0xe7: {  	[sflag:s2] =	ssyncset.done $0x0  }
0xe8: {  	[sflag:s2] =	ssyncadd.s32 $0xFFFFFF60  }
0xe9: {  	_ =	sfence.sel $0x180000  }
0xea: {  	[bflag:$0x0] =	sbarrier.arrive $0xFFFF  }
0xeb: {  	_ =	strace $0x90000047  }
0xec: {  	s0 =	stileid.u32;
	[bflag:$0x2] =	sbarrier.arrive $0xFFFF  }
0xed: {  	p0 =	sne.s32 s0, $0x0;
	s0 =	rddreg [dreg:$0x5]  }
0xee: {  	s0 =	sadd.s32 @!p0 $0x100000, s0  }
0xef: {  	[sflag:s0] =	ssyncadd.tile.s32 @!p0 $0x1;
	_ =	shalt  }
.Lfunc_end2:
_tile_overlayer_lowered:
.L_overlay_start_2:
0xf0: {  	(tag) =	ssettag $0x2  }
0xf1: {  	s0 =	rddreg [dreg:$0x0];
	s2 =	stileid.u32  }
0xf2: {  	s1 =	rddreg [dreg:$0x1];
	p0 =	sne.s32 s2, $0x0  }
0xf3: {  	s3 =	rddreg [dreg:$0x2];
	[bflag:$0x3] =	sbarrier.arrive $0xFFFF;
	s2 =	simm.s32 @!p0 $0x1C03  }
0xf4: {  	[timem:s3], [sflag:s2] =	dma.local @!p0 [hbm:s0], s1  }
0xf5: {  	s0 =	simm.s32 @!p0 $0x3  }
0xf6: {  	_ =	swait.ge @!p0 [sflag:s0], s1  }
0xf7: {  	s1 =	ssub.s32 @!p0 $0x0, s1;
	[sflag:s0] =	ssyncset.done @!p0 $0x0  }
0xf8: {  	[sflag:s0] =	ssyncadd.s32 @!p0 s1  }
0xf9: {  	[bflag:$0x3] =	sbarrier.arrive $0xFFFF  }
0xfa: {  	_ =	shalt  }

</sc_bundles>
